<compile_context>
chip_gen: v7x
topology: tpu7x:2x2x1
jax: 0.10.2.dev20260603
libtpu: 0.0.44.dev20260713+nightly
codegen_flags: <defaults>
</compile_context>

<pallas_src>
import functools

import jax
import jax.numpy as jnp
from jax import lax
from jax.experimental import pallas as pl
from jax.experimental.pallas import tpu as pltpu
from jax.experimental.pallas import tpu_sc as plsc

N = 10000
D = 256
K = 8
DELTA = D // K
E = 160000

NC = 2
NS = 16
H = D // 2

NP = 10240
ROWS_PER_TILE = NP // NS

PC = 80
PCHUNKS = 125
EPAD = PCHUNKS * PC - E // NS

DCHUNKS = (E // (NC * NS) + PC - 1) // PC
DPAD = DCHUNKS * PC - E // (NC * NS)
DEG_W = H


@functools.lru_cache(maxsize=1)
def _sc_kernels():
    mesh = plsc.VectorSubcoreMesh(core_axis_name="c", subcore_axis_name="s",
                                  num_cores=NC, num_subcores=NS)

    @functools.partial(
        pl.kernel,
        out_type=jax.ShapeDtypeStruct((NC * NP, DEG_W), jnp.float32),
        mesh=mesh,
        scratch_types=[
            pltpu.VMEM((DCHUNKS, PC), jnp.int32),
            pltpu.VMEM((PC, DEG_W), jnp.float32),
            pltpu.VMEM_SHARED((NP, DEG_W), jnp.float32),
        ],
    )
    def sc_degree(dst_hbm, ones_hbm, zeros_hbm, out_hbm, idx_v, ones_v, acc):
        c = lax.axis_index("c")
        s = lax.axis_index("s")
        wid = c * NS + s
        pltpu.sync_copy(zeros_hbm,
                        acc.at[pl.ds(s * ROWS_PER_TILE, ROWS_PER_TILE)])
        pltpu.sync_copy(dst_hbm.at[wid], idx_v)
        pltpu.sync_copy(ones_hbm, ones_v)
        plsc.subcore_barrier()

        @pl.loop(0, DCHUNKS)
        def _(j):
            pltpu.sync_copy(ones_v, acc.at[idx_v.at[j]], add=True)

        plsc.subcore_barrier()
        base = c * NP + s * ROWS_PER_TILE
        pltpu.sync_copy(acc.at[pl.ds(s * ROWS_PER_TILE, ROWS_PER_TILE)],
                        out_hbm.at[pl.ds(base, ROWS_PER_TILE)])

    @functools.partial(
        pl.kernel,
        out_type=jax.ShapeDtypeStruct((NC * NP, H), jnp.float32),
        mesh=mesh,
        scratch_types=[
            pltpu.VMEM((PCHUNKS, PC), jnp.int32),
            pltpu.VMEM((PCHUNKS, PC), jnp.int32),
            pltpu.VMEM((PC, H), jnp.float32),
            pltpu.VMEM_SHARED((NP, H), jnp.float32),
            pltpu.SemaphoreType.DMA,
        ],
    )
    def sc_propagate(y_hbm, src_hbm, dst_hbm, zeros_hbm, out_hbm,
                     src_v, dst_v, rows_v, acc, sem):
        c = lax.axis_index("c")
        s = lax.axis_index("s")
        wid = c * NS + s
        pltpu.sync_copy(zeros_hbm,
                        acc.at[pl.ds(s * ROWS_PER_TILE, ROWS_PER_TILE)])
        pltpu.sync_copy(src_hbm.at[wid], src_v)
        pltpu.sync_copy(dst_hbm.at[s], dst_v)
        plsc.subcore_barrier()

        @pl.loop(0, PCHUNKS)
        def _(j):
            pltpu.async_copy(y_hbm.at[src_v.at[j]], rows_v, sem).wait()
            pltpu.sync_copy(rows_v, acc.at[dst_v.at[j]], add=True)

        plsc.subcore_barrier()
        base = c * NP + s * ROWS_PER_TILE
        pltpu.sync_copy(acc.at[pl.ds(s * ROWS_PER_TILE, ROWS_PER_TILE)],
                        out_hbm.at[pl.ds(base, ROWS_PER_TILE)])

    return sc_degree, sc_propagate



BN = 400


def _dinv_from_deg(deg_ref):
    deg = deg_ref[0, :, 0:1] + deg_ref[1, :, 0:1] + 1.0
    return lax.rsqrt(deg)


def _tc_scale_body(deg_ref, x_ref, y_ref):
    dinv = _dinv_from_deg(deg_ref)
    y = dinv * x_ref[...]
    y_ref[0] = y[:, :H]
    y_ref[1] = y[:, H:]


def _tc_mid_body(deg_ref, s1_ref, x_ref, w1_ref, b1_ref, w2_ref,
                 g_ref, y2_ref):
    dinv = _dinv_from_deg(deg_ref)
    s1 = jnp.concatenate([s1_ref[0], s1_ref[1]], axis=1)
    a = dinv * s1 + (dinv * dinv) * x_ref[...]
    h = jnp.maximum(
        jnp.dot(a.astype(jnp.bfloat16), w1_ref[...],
                preferred_element_type=jnp.float32)
        + b1_ref[...], 0.0)
    g = jnp.dot(h.astype(jnp.bfloat16), w2_ref[...],
                preferred_element_type=jnp.float32)
    g_ref[...] = g
    y2 = dinv * g
    y2_ref[0] = y2[:, :H]
    y2_ref[1] = y2[:, H:]


def _tc_final_body(deg_ref, s2_ref, g_ref, b2_ref, out_ref):
    dinv = _dinv_from_deg(deg_ref)
    s2 = jnp.concatenate([s2_ref[0], s2_ref[1]], axis=1)
    pre = dinv * s2 + (dinv * dinv) * g_ref[...] + b2_ref[...]
    row = lax.broadcasted_iota(jnp.int32, (D, K), 0) // DELTA
    col = lax.broadcasted_iota(jnp.int32, (D, K), 1)
    m = (row == col).astype(jnp.float32)
    ssq = jnp.dot(pre * pre, m, preferred_element_type=jnp.float32)
    rnorm = 1.0 / jnp.maximum(jnp.sqrt(ssq), 1e-12)
    scale = jnp.dot(rnorm, m.T, preferred_element_type=jnp.float32)
    out_ref[...] = pre * scale


_NBLK = N // BN

_DEG_SPEC = pl.BlockSpec((2, BN, DEG_W), lambda i: (0, i, 0))
_CAT_SPEC = pl.BlockSpec((2, BN, H), lambda i: (0, i, 0))
_X_SPEC = pl.BlockSpec((BN, D), lambda i: (i, 0))


def _tc_scale(deg, x):
    return pl.pallas_call(
        _tc_scale_body,
        grid=(_NBLK,),
        in_specs=[_DEG_SPEC, _X_SPEC],
        out_specs=_CAT_SPEC,
        out_shape=jax.ShapeDtypeStruct((2, NP, H), jnp.float32),
    )(deg, x)


def _tc_mid(deg, s1, x, w1, b1, w2):
    return pl.pallas_call(
        _tc_mid_body,
        grid=(_NBLK,),
        in_specs=[
            _DEG_SPEC, _CAT_SPEC, _X_SPEC,
            pl.BlockSpec((D, 4 * D), lambda i: (0, 0)),
            pl.BlockSpec((1, 4 * D), lambda i: (0, 0)),
            pl.BlockSpec((4 * D, D), lambda i: (0, 0)),
        ],
        out_specs=[_X_SPEC, _CAT_SPEC],
        out_shape=[
            jax.ShapeDtypeStruct((N, D), jnp.float32),
            jax.ShapeDtypeStruct((2, NP, H), jnp.float32),
        ],
    )(deg, s1, x, w1, b1, w2)


def _tc_final(deg, s2, g, b2):
    return pl.pallas_call(
        _tc_final_body,
        grid=(_NBLK,),
        in_specs=[
            _DEG_SPEC, _CAT_SPEC, _X_SPEC,
            pl.BlockSpec((1, D), lambda i: (0, 0)),
        ],
        out_specs=_X_SPEC,
        out_shape=jax.ShapeDtypeStruct((N, D), jnp.float32),
    )(deg, s2, g, b2)



def kernel(x_all, max_iter, ix, edge_index, aug_loss, W1, b1, W2, b2):
    src = edge_index[0]
    dst = edge_index[1]

    src_r = src.reshape(NS, E // NS)
    dst_r = dst.reshape(NS, E // NS)
    src_p = jnp.concatenate(
        [src_r, jnp.zeros((NS, EPAD), jnp.int32)], axis=1
    ).reshape(NS, PCHUNKS, PC)
    dst_p = jnp.concatenate(
        [dst_r, jnp.full((NS, EPAD), N, jnp.int32)], axis=1
    ).reshape(NS, PCHUNKS, PC)
    src_arr = jnp.concatenate([src_p, src_p + NP], axis=0)
    dst_w = dst.reshape(NC * NS, E // (NC * NS))
    dst_deg = jnp.concatenate(
        [dst_w, jnp.full((NC * NS, DPAD), N, jnp.int32)], axis=1
    ).reshape(NC * NS, DCHUNKS, PC)

    ones_deg = jnp.ones((PC, DEG_W), jnp.float32)
    zeros_deg = jnp.zeros((ROWS_PER_TILE, DEG_W), jnp.float32)
    zeros_prop = jnp.zeros((ROWS_PER_TILE, H), jnp.float32)

    sc_degree, sc_propagate = _sc_kernels()

    deg = deg_ref[0, :, 0:1] + deg_ref[1, :, 0:1] + 1.0
    return lax.rsqrt(deg)


def _tc_scale_body(deg_ref, x_ref, y_ref):
    dinv = _dinv_from_deg(deg_ref)
    y = dinv * x_ref[...]
    y_ref[0] = y[:, :H]
    y_ref[1] = y[:, H:]


def _tc_mid_body(deg_ref, s1_ref, x_ref, w1_ref, b1_ref, w2_ref,
                 g_ref, y2_ref):
    dinv = _dinv_from_deg(deg_ref)
    s1 = jnp.concatenate([s1_ref[0], s1_ref[1]], axis=1)
    a = dinv * s1 + (dinv * dinv) * x_ref[...]
    h = jnp.maximum(
        jnp.dot(a.astype(jnp.bfloat16), w1_ref[...],
                preferred_element_type=jnp.float32)
        + b1_ref[...], 0.0)
    g = jnp.dot(h.astype(jnp.bfloat16), w2_ref[...],
                preferred_element_type=jnp.float32)
    g_ref[...] = g
    y2 = dinv * g
    y2_ref[0] = y2[:, :H]
    y2_ref[1] = y2[:, H:]


def _tc_final_body(deg_ref, s2_ref, g_ref, b2_ref, out_ref):
    dinv = _dinv_from_deg(deg_ref)
    s2 = jnp.concatenate([s2_ref[0], s2_ref[1]], axis=1)
    pre = dinv * s2 + (dinv * dinv) * g_ref[...] + b2_ref[...]
    row = lax.broadcasted_iota(jnp.int32, (D, K), 0) // DELTA
    col = lax.broadcasted_iota(jnp.int32, (D, K), 1)
    m = (row == col).astype(jnp.float32)
    ssq = jnp.dot(pre * pre, m, preferred_element_type=jnp.float32)
    rnorm = 1.0 / jnp.maximum(jnp.sqrt(ssq), 1e-12)
    scale = jnp.dot(rnorm, m.T, preferred_element_type=jnp.float32)
    out_ref[...] = pre * scale


_NBLK = N // BN

_DEG_SPEC = pl.BlockSpec((2, BN, DEG_W), lambda i: (0, i, 0))
_CAT_SPEC = pl.BlockSpec((2, BN, H), lambda i: (0, i, 0))
_X_SPEC = pl.BlockSpec((BN, D), lambda i: (i, 0))


def _tc_scale(deg, x):
    return pl.pallas_call(
        _tc_scale_body,
        grid=(_NBLK,),
        in_specs=[_DEG_SPEC, _X_SPEC],
        out_specs=_CAT_SPEC,
        out_shape=jax.ShapeDtypeStruct((2, NP, H), jnp.float32),
    )(deg, x)


def _tc_mid(deg, s1, x, w1, b1, w2):
    return pl.pallas_call(
        _tc_mid_body,
        grid=(_NBLK,),
        in_specs=[
            _DEG_SPEC, _CAT_SPEC, _X_SPEC,
            pl.BlockSpec((D, 4 * D), lambda i: (0, 0)),
            pl.BlockSpec((1, 4 * D), lambda i: (0, 0)),
            pl.BlockSpec((4 * D, D), lambda i: (0, 0)),
        ],
        out_specs=[_X_SPEC, _CAT_SPEC],
        out_shape=[
            jax.ShapeDtypeStruct((N, D), jnp.float32),
            jax.ShapeDtypeStruct((2, NP, H), jnp.float32),
        ],
    )(deg, s1, x, w1, b1, w2)


def _tc_final(deg, s2, g, b2):
    return pl.pallas_call(
        _tc_final_body,
        grid=(_NBLK,),
        in_specs=[
            _DEG_SPEC, _CAT_SPEC, _X_SPEC,
            pl.BlockSpec((1, D), lambda i: (0, 0)),
        ],
        out_specs=_X_SPEC,
        out_shape=jax.ShapeDtypeStruct((N, D), jnp.float32),
    )(deg, s2, g, b2)



def kernel(x_all, max_iter, ix, edge_index, aug_loss, W1, b1, W2, b2):
    src = edge_index[0]
    dst = edge_index[1]

    src_r = src.reshape(NS, E // NS)
    dst_r = dst.reshape(NS, E // NS)
    src_p = jnp.concatenate(
        [src_r, jnp.zeros((NS, EPAD), jnp.int32)], axis=1
    ).reshape(NS, PCHUNKS, PC)
    dst_p = jnp.concatenate(
        [dst_r, jnp.full((NS, EPAD), N, jnp.int32)], axis=1
    ).reshape(NS, PCHUNKS, PC)
    src_arr = jnp.concatenate([src_p, src_p + NP], axis=0)
    dst_w = dst.reshape(NC * NS, E // (NC * NS))
    dst_deg = jnp.concatenate(
        [dst_w, jnp.full((NC * NS, DPAD), N, jnp.int32)], axis=1
    ).reshape(NC * NS, DCHUNKS, PC)

    ones_deg = jnp.ones((PC, DEG_W), jnp.float32)
    zeros_deg = jnp.zeros((ROWS_PER_TILE, DEG_W), jnp.float32)
    zeros_prop = jnp.zeros((ROWS_PER_TILE, H), jnp.float32)

    sc_degree, sc_propagate = _sc_kernels()

    def _dbg_deg(dd):
        halves = dd.reshape(NC, -1)
        out = [jnp.zeros((NP, DEG_W), jnp.float32).at[halves[c]].add(
                   jnp.ones((halves[c].shape[0], DEG_W))) for c in range(NC)]
        return jnp.concatenate(out, axis=0).reshape(NC, NP, DEG_W)

    def _dbg_prop(y, srcs, dsts):
        out = []
        for c in range(NC):
            sflat = srcs[c * NS:(c + 1) * NS].reshape(-1)
            dflat = dsts.reshape(-1)
            acc = jnp.zeros((NP, H), jnp.float32).at[dflat].add(y[sflat])
            out.append(acc)
        return jnp.concatenate(out, axis=0)
    deg = sc_degree(dst_deg, ones_deg, zeros_deg).reshape(NC, NP, DEG_W)

    y1 = _tc_scale(deg, x_all).reshape(NC * NP, H)
    s1 = sc_propagate(y1, src_arr, dst_p, zeros_prop).reshape(NC, NP, H)

    g, y2 = _tc_mid(deg, s1, x_all, W1.astype(jnp.bfloat16),
                    b1.reshape(1, 4 * D), W2.astype(jnp.bfloat16))
    s2 = sc_propagate(y2.reshape(NC * NP, H), src_arr, dst_p,
                      zeros_prop).reshape(NC, NP, H)

    return _tc_final(deg, s2, g, b2.reshape(1, D))

# --- scband reference (transcript-rebuilt; emitter-appended) ---
"""Pipeline reference for scband-eaconv-78469052498580 (READ-ONLY COPY).

The authoritative reference and input builder live on the scoring server;
editing this copy changes nothing except your own understanding.
"""

import jax, jax.numpy as jnp
import numpy as np

N = 10000
D = 256
K = 8
DELTA = D // K
E = 160000


def _gcn_conv(x, edge_index, W, b, n):
    # PyG GCNConv: x' = D^{-1/2}(A+I)D^{-1/2} (x W) + b
    h = x @ W
    src = edge_index[0]
    dst = edge_index[1]
    loop = jnp.arange(n, dtype=src.dtype)
    src = jnp.concatenate([src, loop])
    dst = jnp.concatenate([dst, loop])
    deg = jnp.zeros((n,), dtype=h.dtype).at[dst].add(1.0)
    deg_inv_sqrt = jnp.where(deg > 0, jax.lax.rsqrt(jnp.maximum(deg, 1e-12)), 0.0)
    norm = deg_inv_sqrt[src] * deg_inv_sqrt[dst]
    msg = h[src] * norm[:, None]
    out = jnp.zeros((n, h.shape[1]), dtype=h.dtype).at[dst].add(msg)
    return out + b


def setup_inputs(seed: int = 0) -> dict:
    key = jax.random.key(seed)
    k1, k2, k3, k4, k5, k6 = jax.random.split(key, 6)
    x_all = jax.random.normal(k1, (N, D), dtype=jnp.float32)
    edge_index = jax.random.randint(k2, (2, E), 0, N, dtype=jnp.int64 if jax.config.jax_enable_x64 else jnp.int32).astype(jnp.int32)
    # GCNConv(d, 4d) params (glorot-ish init)
    W1 = jax.random.normal(k3, (D, 4 * D), dtype=jnp.float32) * (1.0 / np.sqrt(D))
    b1 = jnp.zeros((4 * D,), dtype=jnp.float32)
    # GCNConv(4d, d) params
    W2 = jax.random.normal(k4, (4 * D, D), dtype=jnp.float32) * (1.0 / np.sqrt(4 * D))
    b2 = jnp.zeros((D,), dtype=jnp.float32)
    return {
        "x_all": x_all,
        "max_iter": 10,
        "ix": 0,
        "edge_index": edge_index,
        "aug_loss": 0,
        "W1": W1,
        "b1": b1,
        "W2": W2,
        "b2": b2,
    }


def reference(x_all, max_iter, ix, edge_index, aug_loss, W1, b1, W2, b2):
    n = x_all.shape[0]
    # eval mode: all F.dropout calls are identity
    x = _gcn_conv(x_all, edge_index, W1, b1, n)
    z = jax.nn.relu(x)
    z = _gcn_conv(z, edge_index, W2, b2, n)
    zr = z.reshape(n, K, DELTA)
    denom = jnp.maximum(jnp.linalg.norm(zr, axis=2, keepdims=True), 1e-12)
    zn = zr / denom
    return zn.reshape(n, D)

if __name__ == "__main__":
    import jax
    _d = setup_inputs()
    print(jax.jit(kernel)(*tuple(_d.values())))

</pallas_src>

<mosaic_0001>
#map = affine_map<(d0, d1) -> (0, 0)>
#map1 = affine_map<(d0, d1) -> (0, 0, 0)>
module attributes {stable_mosaic.version = 14 : i64} {
  func.func @sc_propagate(%arg0: i32, %arg1: i32, %arg2: memref<20480x128xf32, #tpu.memory_space<hbm>>, %arg3: memref<32x125x80xi32, #tpu.memory_space<hbm>>, %arg4: memref<16x125x80xi32, #tpu.memory_space<hbm>>, %arg5: memref<640x128xf32, #tpu.memory_space<hbm>>, %arg6: memref<20480x128xf32, #tpu.memory_space<hbm>>, %arg7: memref<125x80xi32, #tpu.memory_space<vmem>>, %arg8: memref<125x80xi32, #tpu.memory_space<vmem>>, %arg9: memref<80x128xf32, #tpu.memory_space<vmem>>, %arg10: memref<10240x128xf32, #tpu.memory_space<vmem_shared>>, %arg11: memref<!tpu.dma_semaphore, #tpu.memory_space<semaphore_mem>>) attributes {dimension_semantics = [#tpu.dimension_semantics<core_parallel>, #tpu.dimension_semantics<subcore_parallel>], iteration_bounds = array<i64: 2, 16>, scalar_prefetch = 0 : i64, scratch_operands = 5 : i64, tpu.core_type = #tpu.core_type<sc_vector_subcore>, window_params = [{transform_indices = #map}, {transform_indices = #map1}, {transform_indices = #map1}, {transform_indices = #map}, {transform_indices = #map}]} {
    %mul3A = arith.constant 16 : i32
    %mul3A_0 = arith.muli %arg0, %mul3A : i32
    %add3A = arith.addi %mul3A_0, %arg1 : i32
    %mul3A_1 = arith.constant 640 : i32
    %mul3A_2 = arith.muli %arg1, %mul3A_1 : i32
    "tpu.region"() ({
      %run_scoped3A = tpu.sem_alloc : memref<!tpu.dma_semaphore, #tpu.memory_space<semaphore_mem>>
      %dma_start3A = arith.constant 0 : i32
      %dma_start3A_15 = tpu.memref_slice %arg10[%mul3A_2, %dma_start3A] : memref<10240x128xf32, #tpu.memory_space<vmem_shared>> -> memref<640x128xf32, #tpu.memory_space<vmem_shared>>
      tpu.enqueue_dma source(%arg5 : memref<640x128xf32, #tpu.memory_space<hbm>>) target(%dma_start3A_15 : memref<640x128xf32, #tpu.memory_space<vmem_shared>>) target_semaphore(%run_scoped3A : memref<!tpu.dma_semaphore, #tpu.memory_space<semaphore_mem>>)
      %dma_wait3A = arith.constant 0 : i32
      %dma_wait3A_16 = tpu.memref_slice %arg10[%mul3A_2, %dma_wait3A] : memref<10240x128xf32, #tpu.memory_space<vmem_shared>> -> memref<640x128xf32, #tpu.memory_space<vmem_shared>>
      tpu.wait_dma2 semaphore(%run_scoped3A : memref<!tpu.dma_semaphore, #tpu.memory_space<semaphore_mem>>) src(%arg5 : memref<640x128xf32, #tpu.memory_space<hbm>>) dst(%dma_wait3A_16 : memref<640x128xf32, #tpu.memory_space<vmem_shared>>)
      tpu.yield
    }) : () -> ()
    "tpu.region"() ({
      %run_scoped3A = tpu.sem_alloc : memref<!tpu.dma_semaphore, #tpu.memory_space<semaphore_mem>>
      %dma_start3A = arith.constant 0 : i32
      %dma_start3A_15 = arith.constant 0 : i32
      %dma_start3A_16 = tpu.memref_slice %arg3[%add3A, %dma_start3A, %dma_start3A_15] : memref<32x125x80xi32, #tpu.memory_space<hbm>> -> memref<1x125x80xi32, #tpu.memory_space<hbm>>
      %dma_start3A_17 = tpu.memref_squeeze %dma_start3A_16 : memref<1x125x80xi32, #tpu.memory_space<hbm>> -> memref<125x80xi32, #tpu.memory_space<hbm>>
      %dma_start3A_18 = arith.constant 0 : i32
      %dma_start3A_19 = arith.constant 0 : i32
      %dma_start3A_20 = tpu.memref_slice %arg3[%add3A, %dma_start3A_18, %dma_start3A_19] : memref<32x125x80xi32, #tpu.memory_space<hbm>> -> memref<1x125x80xi32, #tpu.memory_space<hbm>>
      %dma_start3A_21 = tpu.memref_squeeze %dma_start3A_20 : memref<1x125x80xi32, #tpu.memory_space<hbm>> -> memref<125x80xi32, #tpu.memory_space<hbm>>
      tpu.enqueue_dma source(%dma_start3A_21 : memref<125x80xi32, #tpu.memory_space<hbm>>) target(%arg7 : memref<125x80xi32, #tpu.memory_space<vmem>>) target_semaphore(%run_scoped3A : memref<!tpu.dma_semaphore, #tpu.memory_space<semaphore_mem>>)
      %dma_wait3A = arith.constant 0 : i32
      %dma_wait3A_22 = arith.constant 0 : i32
      %dma_wait3A_23 = tpu.memref_slice %arg3[%add3A, %dma_wait3A, %dma_wait3A_22] : memref<32x125x80xi32, #tpu.memory_space<hbm>> -> memref<1x125x80xi32, #tpu.memory_space<hbm>>
      %dma_wait3A_24 = tpu.memref_squeeze %dma_wait3A_23 : memref<1x125x80xi32, #tpu.memory_space<hbm>> -> memref<125x80xi32, #tpu.memory_space<hbm>>
      %dma_wait3A_25 = arith.constant 0 : i32
      %dma_wait3A_26 = arith.constant 0 : i32
      %dma_wait3A_27 = tpu.memref_slice %arg3[%add3A, %dma_wait3A_25, %dma_wait3A_26] : memref<32x125x80xi32, #tpu.memory_space<hbm>> -> memref<1x125x80xi32, #tpu.memory_space<hbm>>
      %dma_wait3A_28 = tpu.memref_squeeze %dma_wait3A_27 : memref<1x125x80xi32, #tpu.memory_space<hbm>> -> memref<125x80xi32, #tpu.memory_space<hbm>>
      tpu.wait_dma2 semaphore(%run_scoped3A : memref<!tpu.dma_semaphore, #tpu.memory_space<semaphore_mem>>) src(%dma_wait3A_28 : memref<125x80xi32, #tpu.memory_space<hbm>>) dst(%arg7 : memref<125x80xi32, #tpu.memory_space<vmem>>)
      tpu.yield
    }) : () -> ()
    "tpu.region"() ({
      %run_scoped3A = tpu.sem_alloc : memref<!tpu.dma_semaphore, #tpu.memory_space<semaphore_mem>>
      %dma_start3A = arith.constant 0 : i32
      %dma_start3A_15 = arith.constant 0 : i32
      %dma_start3A_16 = tpu.memref_slice %arg4[%arg1, %dma_start3A, %dma_start3A_15] : memref<16x125x80xi32, #tpu.memory_space<hbm>> -> memref<1x125x80xi32, #tpu.memory_space<hbm>>
      %dma_start3A_17 = tpu.memref_squeeze %dma_start3A_16 : memref<1x125x80xi32, #tpu.memory_space<hbm>> -> memref<125x80xi32, #tpu.memory_space<hbm>>
      %dma_start3A_18 = arith.constant 0 : i32
      %dma_start3A_19 = arith.constant 0 : i32
      %dma_start3A_20 = tpu.memref_slice %arg4[%arg1, %dma_start3A_18, %dma_start3A_19] : memref<16x125x80xi32, #tpu.memory_space<hbm>> -> memref<1x125x80xi32, #tpu.memory_space<hbm>>
      %dma_start3A_21 = tpu.memref_squeeze %dma_start3A_20 : memref<1x125x80xi32, #tpu.memory_space<hbm>> -> memref<125x80xi32, #tpu.memory_space<hbm>>
      tpu.enqueue_dma source(%dma_start3A_21 : memref<125x80xi32, #tpu.memory_space<hbm>>) target(%arg8 : memref<125x80xi32, #tpu.memory_space<vmem>>) target_semaphore(%run_scoped3A : memref<!tpu.dma_semaphore, #tpu.memory_space<semaphore_mem>>)
      %dma_wait3A = arith.constant 0 : i32
      %dma_wait3A_22 = arith.constant 0 : i32
      %dma_wait3A_23 = tpu.memref_slice %arg4[%arg1, %dma_wait3A, %dma_wait3A_22] : memref<16x125x80xi32, #tpu.memory_space<hbm>> -> memref<1x125x80xi32, #tpu.memory_space<hbm>>
      %dma_wait3A_24 = tpu.memref_squeeze %dma_wait3A_23 : memref<1x125x80xi32, #tpu.memory_space<hbm>> -> memref<125x80xi32, #tpu.memory_space<hbm>>
      %dma_wait3A_25 = arith.constant 0 : i32
      %dma_wait3A_26 = arith.constant 0 : i32
      %dma_wait3A_27 = tpu.memref_slice %arg4[%arg1, %dma_wait3A_25, %dma_wait3A_26] : memref<16x125x80xi32, #tpu.memory_space<hbm>> -> memref<1x125x80xi32, #tpu.memory_space<hbm>>
      %dma_wait3A_28 = tpu.memref_squeeze %dma_wait3A_27 : memref<1x125x80xi32, #tpu.memory_space<hbm>> -> memref<125x80xi32, #tpu.memory_space<hbm>>
      tpu.wait_dma2 semaphore(%run_scoped3A : memref<!tpu.dma_semaphore, #tpu.memory_space<semaphore_mem>>) src(%dma_wait3A_28 : memref<125x80xi32, #tpu.memory_space<hbm>>) dst(%arg8 : memref<125x80xi32, #tpu.memory_space<vmem>>)
      tpu.yield
    }) : () -> ()
    %barrier3A = arith.constant 0 : index
    tpu.barrier barrier_id(%barrier3A)
    %scan3A = arith.constant 0 : i32
    %scan3A_3 = arith.constant 125 : i32
    %scan3A_4 = arith.addi %scan3A, %scan3A_3 : i32
    %scan3A_5 = arith.constant 1 : i32
    scf.for %scan3A_15 = %scan3A to %scan3A_4 step %scan3A_5  : i32 {
      %mul3A_16 = arith.constant 1 : i32
      %mul3A_17 = arith.muli %scan3A_15, %mul3A_16 : i32
      %add3A_18 = arith.constant 0 : i32
      %add3A_19 = arith.addi %add3A_18, %mul3A_17 : i32
      %dma_start3A = arith.constant 0 : i32
      %dma_start3A_20 = tpu.memref_slice %arg7[%add3A_19, %dma_start3A] : memref<125x80xi32, #tpu.memory_space<vmem>> -> memref<1x80xi32, #tpu.memory_space<vmem>>
      %dma_start3A_21 = tpu.memref_squeeze %dma_start3A_20 : memref<1x80xi32, #tpu.memory_space<vmem>> -> memref<80xi32, #tpu.memory_space<vmem>>
      %dma_start3A_22 = arith.constant 0 : i32
      %dma_start3A_23 = arith.constant 0 : i32
      %dma_start3A_24 = tpu.memref_slice %arg2[%dma_start3A_22, %dma_start3A_23] : memref<20480x128xf32, #tpu.memory_space<hbm>> -> memref<20480x128xf32, #tpu.memory_space<hbm>>
      tpu.enqueue_indirect_dma source(%dma_start3A_24 : memref<20480x128xf32, #tpu.memory_space<hbm>>) target(%arg9 : memref<80x128xf32, #tpu.memory_space<vmem>>) offsets(%dma_start3A_21 : memref<80xi32, #tpu.memory_space<vmem>>) semaphore(%arg11 : memref<!tpu.dma_semaphore, #tpu.memory_space<semaphore_mem>>)
      %dma_wait3A = arith.constant 0 : i32
      %dma_wait3A_25 = tpu.memref_slice %arg7[%add3A_19, %dma_wait3A] : memref<125x80xi32, #tpu.memory_space<vmem>> -> memref<1x80xi32, #tpu.memory_space<vmem>>
      %dma_wait3A_26 = tpu.memref_squeeze %dma_wait3A_25 : memref<1x80xi32, #tpu.memory_space<vmem>> -> memref<80xi32, #tpu.memory_space<vmem>>
      %dma_wait3A_27 = arith.constant 0 : i32
      %dma_wait3A_28 = arith.constant 0 : i32
      %dma_wait3A_29 = tpu.memref_slice %arg2[%dma_wait3A_27, %dma_wait3A_28] : memref<20480x128xf32, #tpu.memory_space<hbm>> -> memref<20480x128xf32, #tpu.memory_space<hbm>>
      tpu.wait_indirect_dma semaphore(%arg11 : memref<!tpu.dma_semaphore, #tpu.memory_space<semaphore_mem>>) src(%dma_wait3A_29 : memref<20480x128xf32, #tpu.memory_space<hbm>>) dst(%arg9 : memref<80x128xf32, #tpu.memory_space<vmem>>)
      "tpu.region"() ({
        %run_scoped3A = tpu.sem_alloc : memref<!tpu.dma_semaphore, #tpu.memory_space<semaphore_mem>>
        %dma_start3A_30 = arith.constant 0 : i32
        %dma_start3A_31 = tpu.memref_slice %arg8[%add3A_19, %dma_start3A_30] : memref<125x80xi32, #tpu.memory_space<vmem>> -> memref<1x80xi32, #tpu.memory_space<vmem>>
        %dma_start3A_32 = tpu.memref_squeeze %dma_start3A_31 : memref<1x80xi32, #tpu.memory_space<vmem>> -> memref<80xi32, #tpu.memory_space<vmem>>
        %dma_start3A_33 = arith.constant 0 : i32
        %dma_start3A_34 = arith.constant 0 : i32
        %dma_start3A_35 = tpu.memref_slice %arg10[%dma_start3A_33, %dma_start3A_34] : memref<10240x128xf32, #tpu.memory_space<vmem_shared>> -> memref<10240x128xf32, #tpu.memory_space<vmem_shared>>
        tpu.enqueue_indirect_dma source(%arg9 : memref<80x128xf32, #tpu.memory_space<vmem>>) target(%dma_start3A_35 : memref<10240x128xf32, #tpu.memory_space<vmem_shared>>) offsets(%dma_start3A_32 : memref<80xi32, #tpu.memory_space<vmem>>) semaphore(%run_scoped3A : memref<!tpu.dma_semaphore, #tpu.memory_space<semaphore_mem>>) {add = true}
        %dma_wait3A_36 = arith.constant 0 : i32
        %dma_wait3A_37 = tpu.memref_slice %arg8[%add3A_19, %dma_wait3A_36] : memref<125x80xi32, #tpu.memory_space<vmem>> -> memref<1x80xi32, #tpu.memory_space<vmem>>
        %dma_wait3A_38 = tpu.memref_squeeze %dma_wait3A_37 : memref<1x80xi32, #tpu.memory_space<vmem>> -> memref<80xi32, #tpu.memory_space<vmem>>
        %dma_wait3A_39 = arith.constant 0 : i32
        %dma_wait3A_40 = arith.constant 0 : i32
        %dma_wait3A_41 = tpu.memref_slice %arg10[%dma_wait3A_39, %dma_wait3A_40] : memref<10240x128xf32, #tpu.memory_space<vmem_shared>> -> memref<10240x128xf32, #tpu.memory_space<vmem_shared>>
        tpu.wait_indirect_dma semaphore(%run_scoped3A : memref<!tpu.dma_semaphore, #tpu.memory_space<semaphore_mem>>) src(%arg9 : memref<80x128xf32, #tpu.memory_space<vmem>>) dst(%dma_wait3A_41 : memref<10240x128xf32, #tpu.memory_space<vmem_shared>>)
        tpu.yield
      }) : () -> ()
    }
    %scan3A_6 = arith.constant 125 : i32
    %barrier3A_7 = arith.constant 0 : index
    tpu.barrier barrier_id(%barrier3A_7)
    %mul3A_8 = arith.constant 10240 : i32
    %mul3A_9 = arith.muli %arg0, %mul3A_8 : i32
    %mul3A_10 = arith.constant 640 : i32
    %mul3A_11 = arith.muli %arg1, %mul3A_10 : i32
    %add3A_12 = arith.addi %mul3A_9, %mul3A_11 : i32
    %mul3A_13 = arith.constant 640 : i32
    %mul3A_14 = arith.muli %arg1, %mul3A_13 : i32
    "tpu.region"() ({
      %run_scoped3A = tpu.sem_alloc : memref<!tpu.dma_semaphore, #tpu.memory_space<semaphore_mem>>
      %dma_start3A = arith.constant 0 : i32
      %dma_start3A_15 = tpu.memref_slice %arg6[%add3A_12, %dma_start3A] : memref<20480x128xf32, #tpu.memory_space<hbm>> -> memref<640x128xf32, #tpu.memory_space<hbm>>
      %dma_start3A_16 = arith.constant 0 : i32
      %dma_start3A_17 = tpu.memref_slice %arg10[%mul3A_14, %dma_start3A_16] : memref<10240x128xf32, #tpu.memory_space<vmem_shared>> -> memref<640x128xf32, #tpu.memory_space<vmem_shared>>
      tpu.enqueue_dma source(%dma_start3A_17 : memref<640x128xf32, #tpu.memory_space<vmem_shared>>) target(%dma_start3A_15 : memref<640x128xf32, #tpu.memory_space<hbm>>) target_semaphore(%run_scoped3A : memref<!tpu.dma_semaphore, #tpu.memory_space<semaphore_mem>>)
      %dma_wait3A = arith.constant 0 : i32
      %dma_wait3A_18 = tpu.memref_slice %arg6[%add3A_12, %dma_wait3A] : memref<20480x128xf32, #tpu.memory_space<hbm>> -> memref<640x128xf32, #tpu.memory_space<hbm>>
      %dma_wait3A_19 = arith.constant 0 : i32
      %dma_wait3A_20 = tpu.memref_slice %arg10[%mul3A_14, %dma_wait3A_19] : memref<10240x128xf32, #tpu.memory_space<vmem_shared>> -> memref<640x128xf32, #tpu.memory_space<vmem_shared>>
      tpu.wait_dma2 semaphore(%run_scoped3A : memref<!tpu.dma_semaphore, #tpu.memory_space<semaphore_mem>>) src(%dma_wait3A_20 : memref<640x128xf32, #tpu.memory_space<vmem_shared>>) dst(%dma_wait3A_18 : memref<640x128xf32, #tpu.memory_space<hbm>>)
      tpu.yield
    }) : () -> ()
    return
  }
}

#map = affine_map<(d0, d1) -> (0, 0, 0)>
#map1 = affine_map<(d0, d1) -> (0, 0)>
module attributes {stable_mosaic.version = 14 : i64} {
  func.func @sc_degree(%arg0: i32, %arg1: i32, %arg2: memref<32x63x80xi32, #tpu.memory_space<hbm>>, %arg3: memref<80x128xf32, #tpu.memory_space<hbm>>, %arg4: memref<640x128xf32, #tpu.memory_space<hbm>>, %arg5: memref<20480x128xf32, #tpu.memory_space<hbm>>, %arg6: memref<63x80xi32, #tpu.memory_space<vmem>>, %arg7: memref<80x128xf32, #tpu.memory_space<vmem>>, %arg8: memref<10240x128xf32, #tpu.memory_space<vmem_shared>>) attributes {dimension_semantics = [#tpu.dimension_semantics<core_parallel>, #tpu.dimension_semantics<subcore_parallel>], iteration_bounds = array<i64: 2, 16>, scalar_prefetch = 0 : i64, scratch_operands = 3 : i64, tpu.core_type = #tpu.core_type<sc_vector_subcore>, window_params = [{transform_indices = #map}, {transform_indices = #map1}, {transform_indices = #map1}, {transform_indices = #map1}]} {
    %mul3A = arith.constant 16 : i32
    %mul3A_0 = arith.muli %arg0, %mul3A : i32
    %add3A = arith.addi %mul3A_0, %arg1 : i32
    %mul3A_1 = arith.constant 640 : i32
    %mul3A_2 = arith.muli %arg1, %mul3A_1 : i32
    "tpu.region"() ({
      %run_scoped3A = tpu.sem_alloc : memref<!tpu.dma_semaphore, #tpu.memory_space<semaphore_mem>>
      %dma_start3A = arith.constant 0 : i32
      %dma_start3A_15 = tpu.memref_slice %arg8[%mul3A_2, %dma_start3A] : memref<10240x128xf32, #tpu.memory_space<vmem_shared>> -> memref<640x128xf32, #tpu.memory_space<vmem_shared>>
      tpu.enqueue_dma source(%arg4 : memref<640x128xf32, #tpu.memory_space<hbm>>) target(%dma_start3A_15 : memref<640x128xf32, #tpu.memory_space<vmem_shared>>) target_semaphore(%run_scoped3A : memref<!tpu.dma_semaphore, #tpu.memory_space<semaphore_mem>>)
      %dma_wait3A = arith.constant 0 : i32
      %dma_wait3A_16 = tpu.memref_slice %arg8[%mul3A_2, %dma_wait3A] : memref<10240x128xf32, #tpu.memory_space<vmem_shared>> -> memref<640x128xf32, #tpu.memory_space<vmem_shared>>
      tpu.wait_dma2 semaphore(%run_scoped3A : memref<!tpu.dma_semaphore, #tpu.memory_space<semaphore_mem>>) src(%arg4 : memref<640x128xf32, #tpu.memory_space<hbm>>) dst(%dma_wait3A_16 : memref<640x128xf32, #tpu.memory_space<vmem_shared>>)
      tpu.yield
    }) : () -> ()
    "tpu.region"() ({
      %run_scoped3A = tpu.sem_alloc : memref<!tpu.dma_semaphore, #tpu.memory_space<semaphore_mem>>
      %dma_start3A = arith.constant 0 : i32
      %dma_start3A_15 = arith.constant 0 : i32
      %dma_start3A_16 = tpu.memref_slice %arg2[%add3A, %dma_start3A, %dma_start3A_15] : memref<32x63x80xi32, #tpu.memory_space<hbm>> -> memref<1x63x80xi32, #tpu.memory_space<hbm>>
      %dma_start3A_17 = tpu.memref_squeeze %dma_start3A_16 : memref<1x63x80xi32, #tpu.memory_space<hbm>> -> memref<63x80xi32, #tpu.memory_space<hbm>>
      %dma_start3A_18 = arith.constant 0 : i32
      %dma_start3A_19 = arith.constant 0 : i32
      %dma_start3A_20 = tpu.memref_slice %arg2[%add3A, %dma_start3A_18, %dma_start3A_19] : memref<32x63x80xi32, #tpu.memory_space<hbm>> -> memref<1x63x80xi32, #tpu.memory_space<hbm>>
      %dma_start3A_21 = tpu.memref_squeeze %dma_start3A_20 : memref<1x63x80xi32, #tpu.memory_space<hbm>> -> memref<63x80xi32, #tpu.memory_space<hbm>>
      tpu.enqueue_dma source(%dma_start3A_21 : memref<63x80xi32, #tpu.memory_space<hbm>>) target(%arg6 : memref<63x80xi32, #tpu.memory_space<vmem>>) target_semaphore(%run_scoped3A : memref<!tpu.dma_semaphore, #tpu.memory_space<semaphore_mem>>)
      %dma_wait3A = arith.constant 0 : i32
      %dma_wait3A_22 = arith.constant 0 : i32
      %dma_wait3A_23 = tpu.memref_slice %arg2[%add3A, %dma_wait3A, %dma_wait3A_22] : memref<32x63x80xi32, #tpu.memory_space<hbm>> -> memref<1x63x80xi32, #tpu.memory_space<hbm>>
      %dma_wait3A_24 = tpu.memref_squeeze %dma_wait3A_23 : memref<1x63x80xi32, #tpu.memory_space<hbm>> -> memref<63x80xi32, #tpu.memory_space<hbm>>
      %dma_wait3A_25 = arith.constant 0 : i32
      %dma_wait3A_26 = arith.constant 0 : i32
      %dma_wait3A_27 = tpu.memref_slice %arg2[%add3A, %dma_wait3A_25, %dma_wait3A_26] : memref<32x63x80xi32, #tpu.memory_space<hbm>> -> memref<1x63x80xi32, #tpu.memory_space<hbm>>
      %dma_wait3A_28 = tpu.memref_squeeze %dma_wait3A_27 : memref<1x63x80xi32, #tpu.memory_space<hbm>> -> memref<63x80xi32, #tpu.memory_space<hbm>>
      tpu.wait_dma2 semaphore(%run_scoped3A : memref<!tpu.dma_semaphore, #tpu.memory_space<semaphore_mem>>) src(%dma_wait3A_28 : memref<63x80xi32, #tpu.memory_space<hbm>>) dst(%arg6 : memref<63x80xi32, #tpu.memory_space<vmem>>)
      tpu.yield
    }) : () -> ()
    "tpu.region"() ({
      %run_scoped3A = tpu.sem_alloc : memref<!tpu.dma_semaphore, #tpu.memory_space<semaphore_mem>>
      tpu.enqueue_dma source(%arg3 : memref<80x128xf32, #tpu.memory_space<hbm>>) target(%arg7 : memref<80x128xf32, #tpu.memory_space<vmem>>) target_semaphore(%run_scoped3A : memref<!tpu.dma_semaphore, #tpu.memory_space<semaphore_mem>>)
      tpu.wait_dma2 semaphore(%run_scoped3A : memref<!tpu.dma_semaphore, #tpu.memory_space<semaphore_mem>>) src(%arg3 : memref<80x128xf32, #tpu.memory_space<hbm>>) dst(%arg7 : memref<80x128xf32, #tpu.memory_space<vmem>>)
      tpu.yield
    }) : () -> ()
    %barrier3A = arith.constant 0 : index
    tpu.barrier barrier_id(%barrier3A)
    %scan3A = arith.constant 0 : i32
    %scan3A_3 = arith.constant 63 : i32
    %scan3A_4 = arith.addi %scan3A, %scan3A_3 : i32
    %scan3A_5 = arith.constant 1 : i32
    scf.for %scan3A_15 = %scan3A to %scan3A_4 step %scan3A_5  : i32 {
      %mul3A_16 = arith.constant 1 : i32
      %mul3A_17 = arith.muli %scan3A_15, %mul3A_16 : i32
      %add3A_18 = arith.constant 0 : i32
      %add3A_19 = arith.addi %add3A_18, %mul3A_17 : i32
      "tpu.region"() ({
        %run_scoped3A = tpu.sem_alloc : memref<!tpu.dma_semaphore, #tpu.memory_space<semaphore_mem>>
        %dma_start3A = arith.constant 0 : i32
        %dma_start3A_20 = tpu.memref_slice %arg6[%add3A_19, %dma_start3A] : memref<63x80xi32, #tpu.memory_space<vmem>> -> memref<1x80xi32, #tpu.memory_space<vmem>>
        %dma_start3A_21 = tpu.memref_squeeze %dma_start3A_20 : memref<1x80xi32, #tpu.memory_space<vmem>> -> memref<80xi32, #tpu.memory_space<vmem>>
        %dma_start3A_22 = arith.constant 0 : i32
        %dma_start3A_23 = arith.constant 0 : i32
        %dma_start3A_24 = tpu.memref_slice %arg8[%dma_start3A_22, %dma_start3A_23] : memref<10240x128xf32, #tpu.memory_space<vmem_shared>> -> memref<10240x128xf32, #tpu.memory_space<vmem_shared>>
        tpu.enqueue_indirect_dma source(%arg7 : memref<80x128xf32, #tpu.memory_space<vmem>>) target(%dma_start3A_24 : memref<10240x128xf32, #tpu.memory_space<vmem_shared>>) offsets(%dma_start3A_21 : memref<80xi32, #tpu.memory_space<vmem>>) semaphore(%run_scoped3A : memref<!tpu.dma_semaphore, #tpu.memory_space<semaphore_mem>>) {add = true}
        %dma_wait3A = arith.constant 0 : i32
        %dma_wait3A_25 = tpu.memref_slice %arg6[%add3A_19, %dma_wait3A] : memref<63x80xi32, #tpu.memory_space<vmem>> -> memref<1x80xi32, #tpu.memory_space<vmem>>
        %dma_wait3A_26 = tpu.memref_squeeze %dma_wait3A_25 : memref<1x80xi32, #tpu.memory_space<vmem>> -> memref<80xi32, #tpu.memory_space<vmem>>
        %dma_wait3A_27 = arith.constant 0 : i32
        %dma_wait3A_28 = arith.constant 0 : i32
        %dma_wait3A_29 = tpu.memref_slice %arg8[%dma_wait3A_27, %dma_wait3A_28] : memref<10240x128xf32, #tpu.memory_space<vmem_shared>> -> memref<10240x128xf32, #tpu.memory_space<vmem_shared>>
        tpu.wait_indirect_dma semaphore(%run_scoped3A : memref<!tpu.dma_semaphore, #tpu.memory_space<semaphore_mem>>) src(%arg7 : memref<80x128xf32, #tpu.memory_space<vmem>>) dst(%dma_wait3A_29 : memref<10240x128xf32, #tpu.memory_space<vmem_shared>>)
        tpu.yield
      }) : () -> ()
    }
    %scan3A_6 = arith.constant 63 : i32
    %barrier3A_7 = arith.constant 0 : index
    tpu.barrier barrier_id(%barrier3A_7)
    %mul3A_8 = arith.constant 10240 : i32
    %mul3A_9 = arith.muli %arg0, %mul3A_8 : i32
    %mul3A_10 = arith.constant 640 : i32
    %mul3A_11 = arith.muli %arg1, %mul3A_10 : i32
    %add3A_12 = arith.addi %mul3A_9, %mul3A_11 : i32
    %mul3A_13 = arith.constant 640 : i32
    %mul3A_14 = arith.muli %arg1, %mul3A_13 : i32
    "tpu.region"() ({
      %run_scoped3A = tpu.sem_alloc : memref<!tpu.dma_semaphore, #tpu.memory_space<semaphore_mem>>
      %dma_start3A = arith.constant 0 : i32
      %dma_start3A_15 = tpu.memref_slice %arg5[%add3A_12, %dma_start3A] : memref<20480x128xf32, #tpu.memory_space<hbm>> -> memref<640x128xf32, #tpu.memory_space<hbm>>
      %dma_start3A_16 = arith.constant 0 : i32
      %dma_start3A_17 = tpu.memref_slice %arg8[%mul3A_14, %dma_start3A_16] : memref<10240x128xf32, #tpu.memory_space<vmem_shared>> -> memref<640x128xf32, #tpu.memory_space<vmem_shared>>
      tpu.enqueue_dma source(%dma_start3A_17 : memref<640x128xf32, #tpu.memory_space<vmem_shared>>) target(%dma_start3A_15 : memref<640x128xf32, #tpu.memory_space<hbm>>) target_semaphore(%run_scoped3A : memref<!tpu.dma_semaphore, #tpu.memory_space<semaphore_mem>>)
      %dma_wait3A = arith.constant 0 : i32
      %dma_wait3A_18 = tpu.memref_slice %arg5[%add3A_12, %dma_wait3A] : memref<20480x128xf32, #tpu.memory_space<hbm>> -> memref<640x128xf32, #tpu.memory_space<hbm>>
      %dma_wait3A_19 = arith.constant 0 : i32
      %dma_wait3A_20 = tpu.memref_slice %arg8[%mul3A_14, %dma_wait3A_19] : memref<10240x128xf32, #tpu.memory_space<vmem_shared>> -> memref<640x128xf32, #tpu.memory_space<vmem_shared>>
      tpu.wait_dma2 semaphore(%run_scoped3A : memref<!tpu.dma_semaphore, #tpu.memory_space<semaphore_mem>>) src(%dma_wait3A_20 : memref<640x128xf32, #tpu.memory_space<vmem_shared>>) dst(%dma_wait3A_18 : memref<640x128xf32, #tpu.memory_space<hbm>>)
      tpu.yield
    }) : () -> ()
    return
  }
}

#map = affine_map<(d0, d1) -> (0, 0)>
#map1 = affine_map<(d0, d1) -> (0, 0, 0)>
module attributes {stable_mosaic.version = 14 : i64} {
  func.func @sc_propagate(%arg0: i32, %arg1: i32, %arg2: memref<20480x128xf32, #tpu.memory_space<hbm>>, %arg3: memref<32x125x80xi32, #tpu.memory_space<hbm>>, %arg4: memref<16x125x80xi32, #tpu.memory_space<hbm>>, %arg5: memref<640x128xf32, #tpu.memory_space<hbm>>, %arg6: memref<20480x128xf32, #tpu.memory_space<hbm>>, %arg7: memref<125x80xi32, #tpu.memory_space<vmem>>, %arg8: memref<125x80xi32, #tpu.memory_space<vmem>>, %arg9: memref<80x128xf32, #tpu.memory_space<vmem>>, %arg10: memref<10240x128xf32, #tpu.memory_space<vmem_shared>>, %arg11: memref<!tpu.dma_semaphore, #tpu.memory_space<semaphore_mem>>) attributes {dimension_semantics = [#tpu.dimension_semantics<core_parallel>, #tpu.dimension_semantics<subcore_parallel>], iteration_bounds = array<i64: 2, 16>, scalar_prefetch = 0 : i64, scratch_operands = 5 : i64, tpu.core_type = #tpu.core_type<sc_vector_subcore>, window_params = [{transform_indices = #map}, {transform_indices = #map1}, {transform_indices = #map1}, {transform_indices = #map}, {transform_indices = #map}]} {
    %mul3A = arith.constant 16 : i32
    %mul3A_0 = arith.muli %arg0, %mul3A : i32
    %add3A = arith.addi %mul3A_0, %arg1 : i32
    %mul3A_1 = arith.constant 640 : i32
    %mul3A_2 = arith.muli %arg1, %mul3A_1 : i32
    "tpu.region"() ({
      %run_scoped3A = tpu.sem_alloc : memref<!tpu.dma_semaphore, #tpu.memory_space<semaphore_mem>>
      %dma_start3A = arith.constant 0 : i32
      %dma_start3A_15 = tpu.memref_slice %arg10[%mul3A_2, %dma_start3A] : memref<10240x128xf32, #tpu.memory_space<vmem_shared>> -> memref<640x128xf32, #tpu.memory_space<vmem_shared>>
      tpu.enqueue_dma source(%arg5 : memref<640x128xf32, #tpu.memory_space<hbm>>) target(%dma_start3A_15 : memref<640x128xf32, #tpu.memory_space<vmem_shared>>) target_semaphore(%run_scoped3A : memref<!tpu.dma_semaphore, #tpu.memory_space<semaphore_mem>>)
      %dma_wait3A = arith.constant 0 : i32
      %dma_wait3A_16 = tpu.memref_slice %arg10[%mul3A_2, %dma_wait3A] : memref<10240x128xf32, #tpu.memory_space<vmem_shared>> -> memref<640x128xf32, #tpu.memory_space<vmem_shared>>
      tpu.wait_dma2 semaphore(%run_scoped3A : memref<!tpu.dma_semaphore, #tpu.memory_space<semaphore_mem>>) src(%arg5 : memref<640x128xf32, #tpu.memory_space<hbm>>) dst(%dma_wait3A_16 : memref<640x128xf32, #tpu.memory_space<vmem_shared>>)
      tpu.yield
    }) : () -> ()
    "tpu.region"() ({
      %run_scoped3A = tpu.sem_alloc : memref<!tpu.dma_semaphore, #tpu.memory_space<semaphore_mem>>
      %dma_start3A = arith.constant 0 : i32
      %dma_start3A_15 = arith.constant 0 : i32
      %dma_start3A_16 = tpu.memref_slice %arg3[%add3A, %dma_start3A, %dma_start3A_15] : memref<32x125x80xi32, #tpu.memory_space<hbm>> -> memref<1x125x80xi32, #tpu.memory_space<hbm>>
      %dma_start3A_17 = tpu.memref_squeeze %dma_start3A_16 : memref<1x125x80xi32, #tpu.memory_space<hbm>> -> memref<125x80xi32, #tpu.memory_space<hbm>>
      %dma_start3A_18 = arith.constant 0 : i32
      %dma_start3A_19 = arith.constant 0 : i32
      %dma_start3A_20 = tpu.memref_slice %arg3[%add3A, %dma_start3A_18, %dma_start3A_19] : memref<32x125x80xi32, #tpu.memory_space<hbm>> -> memref<1x125x80xi32, #tpu.memory_space<hbm>>
      %dma_start3A_21 = tpu.memref_squeeze %dma_start3A_20 : memref<1x125x80xi32, #tpu.memory_space<hbm>> -> memref<125x80xi32, #tpu.memory_space<hbm>>
      tpu.enqueue_dma source(%dma_start3A_21 : memref<125x80xi32, #tpu.memory_space<hbm>>) target(%arg7 : memref<125x80xi32, #tpu.memory_space<vmem>>) target_semaphore(%run_scoped3A : memref<!tpu.dma_semaphore, #tpu.memory_space<semaphore_mem>>)
      %dma_wait3A = arith.constant 0 : i32
      %dma_wait3A_22 = arith.constant 0 : i32
      %dma_wait3A_23 = tpu.memref_slice %arg3[%add3A, %dma_wait3A, %dma_wait3A_22] : memref<32x125x80xi32, #tpu.memory_space<hbm>> -> memref<1x125x80xi32, #tpu.memory_space<hbm>>
      %dma_wait3A_24 = tpu.memref_squeeze %dma_wait3A_23 : memref<1x125x80xi32, #tpu.memory_space<hbm>> -> memref<125x80xi32, #tpu.memory_space<hbm>>
      %dma_wait3A_25 = arith.constant 0 : i32
      %dma_wait3A_26 = arith.constant 0 : i32
      %dma_wait3A_27 = tpu.memref_slice %arg3[%add3A, %dma_wait3A_25, %dma_wait3A_26] : memref<32x125x80xi32, #tpu.memory_space<hbm>> -> memref<1x125x80xi32, #tpu.memory_space<hbm>>
      %dma_wait3A_28 = tpu.memref_squeeze %dma_wait3A_27 : memref<1x125x80xi32, #tpu.memory_space<hbm>> -> memref<125x80xi32, #tpu.memory_space<hbm>>
      tpu.wait_dma2 semaphore(%run_scoped3A : memref<!tpu.dma_semaphore, #tpu.memory_space<semaphore_mem>>) src(%dma_wait3A_28 : memref<125x80xi32, #tpu.memory_space<hbm>>) dst(%arg7 : memref<125x80xi32, #tpu.memory_space<vmem>>)
      tpu.yield
    }) : () -> ()
    "tpu.region"() ({
      %run_scoped3A = tpu.sem_alloc : memref<!tpu.dma_semaphore, #tpu.memory_space<semaphore_mem>>
      %dma_start3A = arith.constant 0 : i32
      %dma_start3A_15 = arith.constant 0 : i32
      %dma_start3A_16 = tpu.memref_slice %arg4[%arg1, %dma_start3A, %dma_start3A_15] : memref<16x125x80xi32, #tpu.memory_space<hbm>> -> memref<1x125x80xi32, #tpu.memory_space<hbm>>
      %dma_start3A_17 = tpu.memref_squeeze %dma_start3A_16 : memref<1x125x80xi32, #tpu.memory_space<hbm>> -> memref<125x80xi32, #tpu.memory_space<hbm>>
      %dma_start3A_18 = arith.constant 0 : i32
      %dma_start3A_19 = arith.constant 0 : i32
      %dma_start3A_20 = tpu.memref_slice %arg4[%arg1, %dma_start3A_18, %dma_start3A_19] : memref<16x125x80xi32, #tpu.memory_space<hbm>> -> memref<1x125x80xi32, #tpu.memory_space<hbm>>
      %dma_start3A_21 = tpu.memref_squeeze %dma_start3A_20 : memref<1x125x80xi32, #tpu.memory_space<hbm>> -> memref<125x80xi32, #tpu.memory_space<hbm>>
      tpu.enqueue_dma source(%dma_start3A_21 : memref<125x80xi32, #tpu.memory_space<hbm>>) target(%arg8 : memref<125x80xi32, #tpu.memory_space<vmem>>) target_semaphore(%run_scoped3A : memref<!tpu.dma_semaphore, #tpu.memory_space<semaphore_mem>>)
      %dma_wait3A = arith.constant 0 : i32
      %dma_wait3A_22 = arith.constant 0 : i32
      %dma_wait3A_23 = tpu.memref_slice %arg4[%arg1, %dma_wait3A, %dma_wait3A_22] : memref<16x125x80xi32, #tpu.memory_space<hbm>> -> memref<1x125x80xi32, #tpu.memory_space<hbm>>
      %dma_wait3A_24 = tpu.memref_squeeze %dma_wait3A_23 : memref<1x125x80xi32, #tpu.memory_space<hbm>> -> memref<125x80xi32, #tpu.memory_space<hbm>>
      %dma_wait3A_25 = arith.constant 0 : i32
      %dma_wait3A_26 = arith.constant 0 : i32
      %dma_wait3A_27 = tpu.memref_slice %arg4[%arg1, %dma_wait3A_25, %dma_wait3A_26] : memref<16x125x80xi32, #tpu.memory_space<hbm>> -> memref<1x125x80xi32, #tpu.memory_space<hbm>>
      %dma_wait3A_28 = tpu.memref_squeeze %dma_wait3A_27 : memref<1x125x80xi32, #tpu.memory_space<hbm>> -> memref<125x80xi32, #tpu.memory_space<hbm>>
      tpu.wait_dma2 semaphore(%run_scoped3A : memref<!tpu.dma_semaphore, #tpu.memory_space<semaphore_mem>>) src(%dma_wait3A_28 : memref<125x80xi32, #tpu.memory_space<hbm>>) dst(%arg8 : memref<125x80xi32, #tpu.memory_space<vmem>>)
      tpu.yield
    }) : () -> ()
    %barrier3A = arith.constant 0 : index
    tpu.barrier barrier_id(%barrier3A)
    %scan3A = arith.constant 0 : i32
    %scan3A_3 = arith.constant 125 : i32
    %scan3A_4 = arith.addi %scan3A, %scan3A_3 : i32
    %scan3A_5 = arith.constant 1 : i32
    scf.for %scan3A_15 = %scan3A to %scan3A_4 step %scan3A_5  : i32 {
      %mul3A_16 = arith.constant 1 : i32
      %mul3A_17 = arith.muli %scan3A_15, %mul3A_16 : i32
      %add3A_18 = arith.constant 0 : i32
      %add3A_19 = arith.addi %add3A_18, %mul3A_17 : i32
      %dma_start3A = arith.constant 0 : i32
      %dma_start3A_20 = tpu.memref_slice %arg7[%add3A_19, %dma_start3A] : memref<125x80xi32, #tpu.memory_space<vmem>> -> memref<1x80xi32, #tpu.memory_space<vmem>>
      %dma_start3A_21 = tpu.memref_squeeze %dma_start3A_20 : memref<1x80xi32, #tpu.memory_space<vmem>> -> memref<80xi32, #tpu.memory_space<vmem>>
      %dma_start3A_22 = arith.constant 0 : i32
      %dma_start3A_23 = arith.constant 0 : i32
      %dma_start3A_24 = tpu.memref_slice %arg2[%dma_start3A_22, %dma_start3A_23] : memref<20480x128xf32, #tpu.memory_space<hbm>> -> memref<20480x128xf32, #tpu.memory_space<hbm>>
      tpu.enqueue_indirect_dma source(%dma_start3A_24 : memref<20480x128xf32, #tpu.memory_space<hbm>>) target(%arg9 : memref<80x128xf32, #tpu.memory_space<vmem>>) offsets(%dma_start3A_21 : memref<80xi32, #tpu.memory_space<vmem>>) semaphore(%arg11 : memref<!tpu.dma_semaphore, #tpu.memory_space<semaphore_mem>>)
      %dma_wait3A = arith.constant 0 : i32
      %dma_wait3A_25 = tpu.memref_slice %arg7[%add3A_19, %dma_wait3A] : memref<125x80xi32, #tpu.memory_space<vmem>> -> memref<1x80xi32, #tpu.memory_space<vmem>>
      %dma_wait3A_26 = tpu.memref_squeeze %dma_wait3A_25 : memref<1x80xi32, #tpu.memory_space<vmem>> -> memref<80xi32, #tpu.memory_space<vmem>>
      %dma_wait3A_27 = arith.constant 0 : i32
      %dma_wait3A_28 = arith.constant 0 : i32
      %dma_wait3A_29 = tpu.memref_slice %arg2[%dma_wait3A_27, %dma_wait3A_28] : memref<20480x128xf32, #tpu.memory_space<hbm>> -> memref<20480x128xf32, #tpu.memory_space<hbm>>
      tpu.wait_indirect_dma semaphore(%arg11 : memref<!tpu.dma_semaphore, #tpu.memory_space<semaphore_mem>>) src(%dma_wait3A_29 : memref<20480x128xf32, #tpu.memory_space<hbm>>) dst(%arg9 : memref<80x128xf32, #tpu.memory_space<vmem>>)
      "tpu.region"() ({
        %run_scoped3A = tpu.sem_alloc : memref<!tpu.dma_semaphore, #tpu.memory_space<semaphore_mem>>
        %dma_start3A_30 = arith.constant 0 : i32
        %dma_start3A_31 = tpu.memref_slice %arg8[%add3A_19, %dma_start3A_30] : memref<125x80xi32, #tpu.memory_space<vmem>> -> memref<1x80xi32, #tpu.memory_space<vmem>>
        %dma_start3A_32 = tpu.memref_squeeze %dma_start3A_31 : memref<1x80xi32, #tpu.memory_space<vmem>> -> memref<80xi32, #tpu.memory_space<vmem>>
        %dma_start3A_33 = arith.constant 0 : i32
        %dma_start3A_34 = arith.constant 0 : i32
        %dma_start3A_35 = tpu.memref_slice %arg10[%dma_start3A_33, %dma_start3A_34] : memref<10240x128xf32, #tpu.memory_space<vmem_shared>> -> memref<10240x128xf32, #tpu.memory_space<vmem_shared>>
        tpu.enqueue_indirect_dma source(%arg9 : memref<80x128xf32, #tpu.memory_space<vmem>>) target(%dma_start3A_35 : memref<10240x128xf32, #tpu.memory_space<vmem_shared>>) offsets(%dma_start3A_32 : memref<80xi32, #tpu.memory_space<vmem>>) semaphore(%run_scoped3A : memref<!tpu.dma_semaphore, #tpu.memory_space<semaphore_mem>>) {add = true}
        %dma_wait3A_36 = arith.constant 0 : i32
        %dma_wait3A_37 = tpu.memref_slice %arg8[%add3A_19, %dma_wait3A_36] : memref<125x80xi32, #tpu.memory_space<vmem>> -> memref<1x80xi32, #tpu.memory_space<vmem>>
        %dma_wait3A_38 = tpu.memref_squeeze %dma_wait3A_37 : memref<1x80xi32, #tpu.memory_space<vmem>> -> memref<80xi32, #tpu.memory_space<vmem>>
        %dma_wait3A_39 = arith.constant 0 : i32
        %dma_wait3A_40 = arith.constant 0 : i32
        %dma_wait3A_41 = tpu.memref_slice %arg10[%dma_wait3A_39, %dma_wait3A_40] : memref<10240x128xf32, #tpu.memory_space<vmem_shared>> -> memref<10240x128xf32, #tpu.memory_space<vmem_shared>>
        tpu.wait_indirect_dma semaphore(%run_scoped3A : memref<!tpu.dma_semaphore, #tpu.memory_space<semaphore_mem>>) src(%arg9 : memref<80x128xf32, #tpu.memory_space<vmem>>) dst(%dma_wait3A_41 : memref<10240x128xf32, #tpu.memory_space<vmem_shared>>)
        tpu.yield
      }) : () -> ()
    }
    %scan3A_6 = arith.constant 125 : i32
    %barrier3A_7 = arith.constant 0 : index
    tpu.barrier barrier_id(%barrier3A_7)
    %mul3A_8 = arith.constant 10240 : i32
    %mul3A_9 = arith.muli %arg0, %mul3A_8 : i32
    %mul3A_10 = arith.constant 640 : i32
    %mul3A_11 = arith.muli %arg1, %mul3A_10 : i32
    %add3A_12 = arith.addi %mul3A_9, %mul3A_11 : i32
    %mul3A_13 = arith.constant 640 : i32
    %mul3A_14 = arith.muli %arg1, %mul3A_13 : i32
    "tpu.region"() ({
      %run_scoped3A = tpu.sem_alloc : memref<!tpu.dma_semaphore, #tpu.memory_space<semaphore_mem>>
      %dma_start3A = arith.constant 0 : i32
      %dma_start3A_15 = tpu.memref_slice %arg6[%add3A_12, %dma_start3A] : memref<20480x128xf32, #tpu.memory_space<hbm>> -> memref<640x128xf32, #tpu.memory_space<hbm>>
      %dma_start3A_16 = arith.constant 0 : i32
      %dma_start3A_17 = tpu.memref_slice %arg10[%mul3A_14, %dma_start3A_16] : memref<10240x128xf32, #tpu.memory_space<vmem_shared>> -> memref<640x128xf32, #tpu.memory_space<vmem_shared>>
      tpu.enqueue_dma source(%dma_start3A_17 : memref<640x128xf32, #tpu.memory_space<vmem_shared>>) target(%dma_start3A_15 : memref<640x128xf32, #tpu.memory_space<hbm>>) target_semaphore(%run_scoped3A : memref<!tpu.dma_semaphore, #tpu.memory_space<semaphore_mem>>)
      %dma_wait3A = arith.constant 0 : i32
      %dma_wait3A_18 = tpu.memref_slice %arg6[%add3A_12, %dma_wait3A] : memref<20480x128xf32, #tpu.memory_space<hbm>> -> memref<640x128xf32, #tpu.memory_space<hbm>>
      %dma_wait3A_19 = arith.constant 0 : i32
      %dma_wait3A_20 = tpu.memref_slice %arg10[%mul3A_14, %dma_wait3A_19] : memref<10240x128xf32, #tpu.memory_space<vmem_shared>> -> memref<640x128xf32, #tpu.memory_space<vmem_shared>>
      tpu.wait_dma2 semaphore(%run_scoped3A : memref<!tpu.dma_semaphore, #tpu.memory_space<semaphore_mem>>) src(%dma_wait3A_20 : memref<640x128xf32, #tpu.memory_space<vmem_shared>>) dst(%dma_wait3A_18 : memref<640x128xf32, #tpu.memory_space<hbm>>)
      tpu.yield
    }) : () -> ()
    return
  }
}

module attributes {stable_mosaic.version = 14 : i64} {
  func.func @_tc_scale_body(%arg0: i32, %arg1: memref<2x400x128xf32, #tpu.memory_space<vmem>>, %arg2: memref<400x256xf32, #tpu.memory_space<vmem>>, %arg3: memref<2x400x128xf32, #tpu.memory_space<vmem>>) attributes {dimension_semantics = [#tpu.dimension_semantics<arbitrary>], iteration_bounds = array<i64: 25>, scalar_prefetch = 0 : i64, scratch_operands = 0 : i64, tpu.core_type = #tpu.core_type<tc>, window_params = [{transform_indices = @transform_0, window_bounds = array<i64: 2, 400, 128>}, {transform_indices = @transform_1, window_bounds = array<i64: 400, 256>}, {transform_indices = @transform_2, window_bounds = array<i64: 2, 400, 128>}]} {
    %get3A = arith.constant 0 : index
    %get3A_0 = arith.constant 0 : index
    %get3A_1 = arith.constant 0 : index
    %get3A_2 = vector.load %arg1[%get3A, %get3A_0, %get3A_1] : memref<2x400x128xf32, #tpu.memory_space<vmem>>, vector<1x400x1xf32>
    %get3A_3 = vector.shape_cast %get3A_2 : vector<1x400x1xf32> to vector<400x1xf32>
    %get3A_4 = arith.constant 1 : index
    %get3A_5 = arith.constant 0 : index
    %get3A_6 = arith.constant 0 : index
    %get3A_7 = vector.load %arg1[%get3A_4, %get3A_5, %get3A_6] : memref<2x400x128xf32, #tpu.memory_space<vmem>>, vector<1x400x1xf32>
    %get3A_8 = vector.shape_cast %get3A_7 : vector<1x400x1xf32> to vector<400x1xf32>
    %add3A = arith.addf %get3A_3, %get3A_8 : vector<400x1xf32>
    %add3A_9 = arith.constant 1.000000e+00 : f32
    %add3A_10 = vector.broadcast %add3A_9 : f32 to vector<400x1xf32>
    %add3A_11 = arith.addf %add3A, %add3A_10 : vector<400x1xf32>
    %rsqrt3A = math.rsqrt %add3A_11 : vector<400x1xf32>
    %get3A_12 = arith.constant 0 : index
    %get3A_13 = arith.constant 0 : index
    %get3A_14 = vector.load %arg2[%get3A_12, %get3A_13] : memref<400x256xf32, #tpu.memory_space<vmem>>, vector<400x256xf32>
    %mul3A = vector.broadcast %rsqrt3A : vector<400x1xf32> to vector<400x256xf32>
    %mul3A_15 = arith.mulf %mul3A, %get3A_14 : vector<400x256xf32>
    %slice3A = vector.extract_strided_slice %mul3A_15 {offsets = [0, 0], sizes = [400, 128], strides = [1, 1]} : vector<400x256xf32> to vector<400x128xf32>
    %swap3A = arith.constant 0 : index
    %swap3A_16 = arith.constant 0 : index
    %swap3A_17 = arith.constant 0 : index
    %swap3A_18 = vector.load %arg3[%swap3A, %swap3A_16, %swap3A_17] : memref<2x400x128xf32, #tpu.memory_space<vmem>>, vector<1x400x128xf32>
    %swap3A_19 = vector.shape_cast %swap3A_18 : vector<1x400x128xf32> to vector<400x128xf32>
    %swap3A_20 = vector.shape_cast %slice3A : vector<400x128xf32> to vector<1x400x128xf32>
    tpu.vector_store %arg3[%swap3A, %swap3A_16, %swap3A_17], %swap3A_20 {strides = array<i32>} : memref<2x400x128xf32, #tpu.memory_space<vmem>>, vector<1x400x128xf32>,
    %slice3A_21 = vector.extract_strided_slice %mul3A_15 {offsets = [0, 128], sizes = [400, 128], strides = [1, 1]} : vector<400x256xf32> to vector<400x128xf32>
    %swap3A_22 = arith.constant 1 : index
    %swap3A_23 = arith.constant 0 : index
    %swap3A_24 = arith.constant 0 : index
    %swap3A_25 = vector.load %arg3[%swap3A_22, %swap3A_23, %swap3A_24] : memref<2x400x128xf32, #tpu.memory_space<vmem>>, vector<1x400x128xf32>
    %swap3A_26 = vector.shape_cast %swap3A_25 : vector<1x400x128xf32> to vector<400x128xf32>
    %swap3A_27 = vector.shape_cast %slice3A_21 : vector<400x128xf32> to vector<1x400x128xf32>
    tpu.vector_store %arg3[%swap3A_22, %swap3A_23, %swap3A_24], %swap3A_27 {strides = array<i32>} : memref<2x400x128xf32, #tpu.memory_space<vmem>>, vector<1x400x128xf32>,
    return
  }
  func.func @transform_0(%arg0: i32) -> (i32, i32, i32) {
    %c0_i32 = arith.constant 0 : i32
    %c0_i32_0 = arith.constant 0 : i32
    %c0_i32_1 = arith.constant 0 : i32
    return %c0_i32, %arg0, %c0_i32_0 : i32, i32, i32
  }
  func.func @transform_1(%arg0: i32) -> (i32, i32) {
    %c0_i32 = arith.constant 0 : i32
    %c0_i32_0 = arith.constant 0 : i32
    return %arg0, %c0_i32 : i32, i32
  }
  func.func @transform_2(%arg0: i32) -> (i32, i32, i32) {
    %c0_i32 = arith.constant 0 : i32
    %c0_i32_0 = arith.constant 0 : i32
    %c0_i32_1 = arith.constant 0 : i32
    return %c0_i32, %arg0, %c0_i32_0 : i32, i32, i32
  }
}

module attributes {stable_mosaic.version = 14 : i64} {
  func.func @_tc_mid_body(%arg0: i32, %arg1: memref<2x400x128xf32, #tpu.memory_space<vmem>>, %arg2: memref<2x400x128xf32, #tpu.memory_space<vmem>>, %arg3: memref<400x256xf32, #tpu.memory_space<vmem>>, %arg4: memref<256x1024xbf16, #tpu.memory_space<vmem>>, %arg5: memref<1x1024xf32, #tpu.memory_space<vmem>>, %arg6: memref<1024x256xbf16, #tpu.memory_space<vmem>>, %arg7: memref<400x256xf32, #tpu.memory_space<vmem>>, %arg8: memref<2x400x128xf32, #tpu.memory_space<vmem>>) attributes {dimension_semantics = [#tpu.dimension_semantics<arbitrary>], iteration_bounds = array<i64: 25>, scalar_prefetch = 0 : i64, scratch_operands = 0 : i64, tpu.core_type = #tpu.core_type<tc>, window_params = [{transform_indices = @transform_0, window_bounds = array<i64: 2, 400, 128>}, {transform_indices = @transform_1, window_bounds = array<i64: 2, 400, 128>}, {transform_indices = @transform_2, window_bounds = array<i64: 400, 256>}, {pipeline_mode = #tpu.pipeline_mode<synchronous>, transform_indices = @transform_3, window_bounds = array<i64: 256, 1024>}, {pipeline_mode = #tpu.pipeline_mode<synchronous>, transform_indices = @transform_4, window_bounds = array<i64: 1, 1024>}, {pipeline_mode = #tpu.pipeline_mode<synchronous>, transform_indices = @transform_5, window_bounds = array<i64: 1024, 256>}, {transform_indices = @transform_6, window_bounds = array<i64: 400, 256>}, {transform_indices = @transform_7, window_bounds = array<i64: 2, 400, 128>}]} {
    %get3A = arith.constant 0 : index
    %get3A_0 = arith.constant 0 : index
    %get3A_1 = arith.constant 0 : index
    %get3A_2 = vector.load %arg1[%get3A, %get3A_0, %get3A_1] : memref<2x400x128xf32, #tpu.memory_space<vmem>>, vector<1x400x1xf32>
    %get3A_3 = vector.shape_cast %get3A_2 : vector<1x400x1xf32> to vector<400x1xf32>
    %get3A_4 = arith.constant 1 : index
    %get3A_5 = arith.constant 0 : index
    %get3A_6 = arith.constant 0 : index
    %get3A_7 = vector.load %arg1[%get3A_4, %get3A_5, %get3A_6] : memref<2x400x128xf32, #tpu.memory_space<vmem>>, vector<1x400x1xf32>
    %get3A_8 = vector.shape_cast %get3A_7 : vector<1x400x1xf32> to vector<400x1xf32>
    %add3A = arith.addf %get3A_3, %get3A_8 : vector<400x1xf32>
    %add3A_9 = arith.constant 1.000000e+00 : f32
    %add3A_10 = vector.broadcast %add3A_9 : f32 to vector<400x1xf32>
    %add3A_11 = arith.addf %add3A, %add3A_10 : vector<400x1xf32>
    %rsqrt3A = math.rsqrt %add3A_11 : vector<400x1xf32>
    %get3A_12 = arith.constant 0 : index
    %get3A_13 = arith.constant 0 : index
    %get3A_14 = arith.constant 0 : index
    %get3A_15 = vector.load %arg2[%get3A_12, %get3A_13, %get3A_14] : memref<2x400x128xf32, #tpu.memory_space<vmem>>, vector<1x400x128xf32>
    %get3A_16 = vector.shape_cast %get3A_15 : vector<1x400x128xf32> to vector<400x128xf32>
    %get3A_17 = arith.constant 1 : index
    %get3A_18 = arith.constant 0 : index
    %get3A_19 = arith.constant 0 : index
    %get3A_20 = vector.load %arg2[%get3A_17, %get3A_18, %get3A_19] : memref<2x400x128xf32, #tpu.memory_space<vmem>>, vector<1x400x128xf32>
    %get3A_21 = vector.shape_cast %get3A_20 : vector<1x400x128xf32> to vector<400x128xf32>
    %concatenate3A = tpu.concatenate %get3A_16, %get3A_21 in 1 : vector<400x128xf32>, vector<400x128xf32> -> vector<400x256xf32>
    %mul3A = vector.broadcast %rsqrt3A : vector<400x1xf32> to vector<400x256xf32>
    %mul3A_22 = arith.mulf %mul3A, %concatenate3A : vector<400x256xf32>
    %mul3A_23 = arith.mulf %rsqrt3A, %rsqrt3A : vector<400x1xf32>
    %get3A_24 = arith.constant 0 : index
    %get3A_25 = arith.constant 0 : index
    %get3A_26 = vector.load %arg3[%get3A_24, %get3A_25] : memref<400x256xf32, #tpu.memory_space<vmem>>, vector<400x256xf32>
    %mul3A_27 = vector.broadcast %mul3A_23 : vector<400x1xf32> to vector<400x256xf32>
    %mul3A_28 = arith.mulf %mul3A_27, %get3A_26 : vector<400x256xf32>
    %add3A_29 = arith.addf %mul3A_22, %mul3A_28 : vector<400x256xf32>
    %convert_element_type3A = arith.truncf %add3A_29 : vector<400x256xf32> to vector<400x256xbf16>
    %get3A_30 = arith.constant 0 : index
    %get3A_31 = arith.constant 0 : index
    %get3A_32 = vector.load %arg4[%get3A_30, %get3A_31] : memref<256x1024xbf16, #tpu.memory_space<vmem>>, vector<256x1024xbf16>
    %dot_general3A = arith.constant dense<0.000000e+00> : vector<400x1024xf32>
    %dot_general3A_33 = tpu.matmul %convert_element_type3A, %get3A_32, %dot_general3A {dimension_numbers = #tpu.dot_dimension_numbers<[1], [0], [0], [1], [0, 0, 1, 1], [], []>, transpose_lhs_hint = false} : vector<400x256xbf16>, vector<256x1024xbf16>, vector<400x1024xf32> -> vector<400x1024xf32>
    %get3A_34 = arith.constant 0 : index
    %get3A_35 = arith.constant 0 : index
    %get3A_36 = vector.load %arg5[%get3A_34, %get3A_35] : memref<1x1024xf32, #tpu.memory_space<vmem>>, vector<1x1024xf32>
    %add3A_37 = vector.broadcast %get3A_36 : vector<1x1024xf32> to vector<400x1024xf32>
    %add3A_38 = arith.addf %dot_general3A_33, %add3A_37 : vector<400x1024xf32>
    %max3A = arith.constant 0.000000e+00 : f32
    %max3A_39 = vector.broadcast %max3A : f32 to vector<400x1024xf32>
    %max3A_40 = arith.maximumf %add3A_38, %max3A_39 : vector<400x1024xf32>
    %convert_element_type3A_41 = arith.truncf %max3A_40 : vector<400x1024xf32> to vector<400x1024xbf16>
    %get3A_42 = arith.constant 0 : index
    %get3A_43 = arith.constant 0 : index
    %get3A_44 = vector.load %arg6[%get3A_42, %get3A_43] : memref<1024x256xbf16, #tpu.memory_space<vmem>>, vector<1024x256xbf16>
    %dot_general3A_45 = arith.constant dense<0.000000e+00> : vector<400x256xf32>
    %dot_general3A_46 = tpu.matmul %convert_element_type3A_41, %get3A_44, %dot_general3A_45 {dimension_numbers = #tpu.dot_dimension_numbers<[1], [0], [0], [1], [0, 0, 1, 1], [], []>, transpose_lhs_hint = false} : vector<400x1024xbf16>, vector<1024x256xbf16>, vector<400x256xf32> -> vector<400x256xf32>
    %swap3A = arith.constant 0 : index
    %swap3A_47 = arith.constant 0 : index
    %swap3A_48 = vector.load %arg7[%swap3A, %swap3A_47] : memref<400x256xf32, #tpu.memory_space<vmem>>, vector<400x256xf32>
    tpu.vector_store %arg7[%swap3A, %swap3A_47], %dot_general3A_46 {strides = array<i32>} : memref<400x256xf32, #tpu.memory_space<vmem>>, vector<400x256xf32>,
    %mul3A_49 = vector.broadcast %rsqrt3A : vector<400x1xf32> to vector<400x256xf32>
    %mul3A_50 = arith.mulf %mul3A_49, %dot_general3A_46 : vector<400x256xf32>
    %slice3A = vector.extract_strided_slice %mul3A_50 {offsets = [0, 0], sizes = [400, 128], strides = [1, 1]} : vector<400x256xf32> to vector<400x128xf32>
    %swap3A_51 = arith.constant 0 : index
    %swap3A_52 = arith.constant 0 : index
    %swap3A_53 = arith.constant 0 : index
    %swap3A_54 = vector.load %arg8[%swap3A_51, %swap3A_52, %swap3A_53] : memref<2x400x128xf32, #tpu.memory_space<vmem>>, vector<1x400x128xf32>
    %swap3A_55 = vector.shape_cast %swap3A_54 : vector<1x400x128xf32> to vector<400x128xf32>
    %swap3A_56 = vector.shape_cast %slice3A : vector<400x128xf32> to vector<1x400x128xf32>
    tpu.vector_store %arg8[%swap3A_51, %swap3A_52, %swap3A_53], %swap3A_56 {strides = array<i32>} : memref<2x400x128xf32, #tpu.memory_space<vmem>>, vector<1x400x128xf32>,
    %slice3A_57 = vector.extract_strided_slice %mul3A_50 {offsets = [0, 128], sizes = [400, 128], strides = [1, 1]} : vector<400x256xf32> to vector<400x128xf32>
    %swap3A_58 = arith.constant 1 : index
    %swap3A_59 = arith.constant 0 : index
    %swap3A_60 = arith.constant 0 : index
    %swap3A_61 = vector.load %arg8[%swap3A_58, %swap3A_59, %swap3A_60] : memref<2x400x128xf32, #tpu.memory_space<vmem>>, vector<1x400x128xf32>
    %swap3A_62 = vector.shape_cast %swap3A_61 : vector<1x400x128xf32> to vector<400x128xf32>
    %swap3A_63 = vector.shape_cast %slice3A_57 : vector<400x128xf32> to vector<1x400x128xf32>
    tpu.vector_store %arg8[%swap3A_58, %swap3A_59, %swap3A_60], %swap3A_63 {strides = array<i32>} : memref<2x400x128xf32, #tpu.memory_space<vmem>>, vector<1x400x128xf32>,
    return
  }
  func.func @transform_0(%arg0: i32) -> (i32, i32, i32) {
    %c0_i32 = arith.constant 0 : i32
    %c0_i32_0 = arith.constant 0 : i32
    %c0_i32_1 = arith.constant 0 : i32
    return %c0_i32, %arg0, %c0_i32_0 : i32, i32, i32
  }
  func.func @transform_1(%arg0: i32) -> (i32, i32, i32) {
    %c0_i32 = arith.constant 0 : i32
    %c0_i32_0 = arith.constant 0 : i32
    %c0_i32_1 = arith.constant 0 : i32
    return %c0_i32, %arg0, %c0_i32_0 : i32, i32, i32
  }
  func.func @transform_2(%arg0: i32) -> (i32, i32) {
    %c0_i32 = arith.constant 0 : i32
    %c0_i32_0 = arith.constant 0 : i32
    return %arg0, %c0_i32 : i32, i32
  }
  func.func @transform_3(%arg0: i32) -> (i32, i32) {
    %c0_i32 = arith.constant 0 : i32
    %c0_i32_0 = arith.constant 0 : i32
    %c0_i32_1 = arith.constant 0 : i32
    return %c0_i32, %c0_i32_0 : i32, i32
  }
  func.func @transform_4(%arg0: i32) -> (i32, i32) {
    %c0_i32 = arith.constant 0 : i32
    %c0_i32_0 = arith.constant 0 : i32
    %c0_i32_1 = arith.constant 0 : i32
    return %c0_i32, %c0_i32_0 : i32, i32
  }
  func.func @transform_5(%arg0: i32) -> (i32, i32) {
    %c0_i32 = arith.constant 0 : i32
    %c0_i32_0 = arith.constant 0 : i32
    %c0_i32_1 = arith.constant 0 : i32
    return %c0_i32, %c0_i32_0 : i32, i32
  }
  func.func @transform_6(%arg0: i32) -> (i32, i32) {
    %c0_i32 = arith.constant 0 : i32
    %c0_i32_0 = arith.constant 0 : i32
    return %arg0, %c0_i32 : i32, i32
  }
  func.func @transform_7(%arg0: i32) -> (i32, i32, i32) {
    %c0_i32 = arith.constant 0 : i32
    %c0_i32_0 = arith.constant 0 : i32
    %c0_i32_1 = arith.constant 0 : i32
    return %c0_i32, %arg0, %c0_i32_0 : i32, i32, i32
  }
}

module attributes {stable_mosaic.version = 14 : i64} {
  func.func @_tc_final_body(%arg0: i32, %arg1: memref<2x400x128xf32, #tpu.memory_space<vmem>>, %arg2: memref<2x400x128xf32, #tpu.memory_space<vmem>>, %arg3: memref<400x256xf32, #tpu.memory_space<vmem>>, %arg4: memref<1x256xf32, #tpu.memory_space<vmem>>, %arg5: memref<400x256xf32, #tpu.memory_space<vmem>>) attributes {dimension_semantics = [#tpu.dimension_semantics<arbitrary>], iteration_bounds = array<i64: 25>, scalar_prefetch = 0 : i64, scratch_operands = 0 : i64, tpu.core_type = #tpu.core_type<tc>, window_params = [{transform_indices = @transform_0, window_bounds = array<i64: 2, 400, 128>}, {transform_indices = @transform_1, window_bounds = array<i64: 2, 400, 128>}, {transform_indices = @transform_2, window_bounds = array<i64: 400, 256>}, {pipeline_mode = #tpu.pipeline_mode<synchronous>, transform_indices = @transform_3, window_bounds = array<i64: 1, 256>}, {transform_indices = @transform_4, window_bounds = array<i64: 400, 256>}]} {
    %get3A = arith.constant 0 : index
    %get3A_0 = arith.constant 0 : index
    %get3A_1 = arith.constant 0 : index
    %get3A_2 = vector.load %arg1[%get3A, %get3A_0, %get3A_1] : memref<2x400x128xf32, #tpu.memory_space<vmem>>, vector<1x400x1xf32>
    %get3A_3 = vector.shape_cast %get3A_2 : vector<1x400x1xf32> to vector<400x1xf32>
    %get3A_4 = arith.constant 1 : index
    %get3A_5 = arith.constant 0 : index
    %get3A_6 = arith.constant 0 : index
    %get3A_7 = vector.load %arg1[%get3A_4, %get3A_5, %get3A_6] : memref<2x400x128xf32, #tpu.memory_space<vmem>>, vector<1x400x1xf32>
    %get3A_8 = vector.shape_cast %get3A_7 : vector<1x400x1xf32> to vector<400x1xf32>
    %add3A = arith.addf %get3A_3, %get3A_8 : vector<400x1xf32>
    %add3A_9 = arith.constant 1.000000e+00 : f32
    %add3A_10 = vector.broadcast %add3A_9 : f32 to vector<400x1xf32>
    %add3A_11 = arith.addf %add3A, %add3A_10 : vector<400x1xf32>
    %rsqrt3A = math.rsqrt %add3A_11 : vector<400x1xf32>
    %get3A_12 = arith.constant 0 : index
    %get3A_13 = arith.constant 0 : index
    %get3A_14 = arith.constant 0 : index
    %get3A_15 = vector.load %arg2[%get3A_12, %get3A_13, %get3A_14] : memref<2x400x128xf32, #tpu.memory_space<vmem>>, vector<1x400x128xf32>
    %get3A_16 = vector.shape_cast %get3A_15 : vector<1x400x128xf32> to vector<400x128xf32>
    %get3A_17 = arith.constant 1 : index
    %get3A_18 = arith.constant 0 : index
    %get3A_19 = arith.constant 0 : index
    %get3A_20 = vector.load %arg2[%get3A_17, %get3A_18, %get3A_19] : memref<2x400x128xf32, #tpu.memory_space<vmem>>, vector<1x400x128xf32>
    %get3A_21 = vector.shape_cast %get3A_20 : vector<1x400x128xf32> to vector<400x128xf32>
    %concatenate3A = tpu.concatenate %get3A_16, %get3A_21 in 1 : vector<400x128xf32>, vector<400x128xf32> -> vector<400x256xf32>
    %mul3A = vector.broadcast %rsqrt3A : vector<400x1xf32> to vector<400x256xf32>
    %mul3A_22 = arith.mulf %mul3A, %concatenate3A : vector<400x256xf32>
    %mul3A_23 = arith.mulf %rsqrt3A, %rsqrt3A : vector<400x1xf32>
    %get3A_24 = arith.constant 0 : index
    %get3A_25 = arith.constant 0 : index
    %get3A_26 = vector.load %arg3[%get3A_24, %get3A_25] : memref<400x256xf32, #tpu.memory_space<vmem>>, vector<400x256xf32>
    %mul3A_27 = vector.broadcast %mul3A_23 : vector<400x1xf32> to vector<400x256xf32>
    %mul3A_28 = arith.mulf %mul3A_27, %get3A_26 : vector<400x256xf32>
    %add3A_29 = arith.addf %mul3A_22, %mul3A_28 : vector<400x256xf32>
    %get3A_30 = arith.constant 0 : index
    %get3A_31 = arith.constant 0 : index
    %get3A_32 = vector.load %arg4[%get3A_30, %get3A_31] : memref<1x256xf32, #tpu.memory_space<vmem>>, vector<1x256xf32>
    %add3A_33 = vector.broadcast %get3A_32 : vector<1x256xf32> to vector<400x256xf32>
    %add3A_34 = arith.addf %add3A_29, %add3A_33 : vector<400x256xf32>
    %iota3A = tpu.iota {dimensions = array<i32: 0>} : vector<256x8xi32>
    %jit3A = arith.constant 32 : i32
    %div3A = vector.broadcast %jit3A : i32 to vector<256x8xi32>
    %div3A_35 = arith.divsi %iota3A, %div3A : vector<256x8xi32>
    %sign3A = arith.constant 0 : i32
    %sign3A_36 = vector.broadcast %sign3A : i32 to vector<256x8xi32>
    %sign3A_37 = arith.cmpi sgt, %iota3A, %sign3A_36 : vector<256x8xi32>
    %sign3A_38 = arith.extui %sign3A_37 : vector<256x8xi1> to vector<256x8xi32>
    %sign3A_39 = arith.constant 0 : i32
    %sign3A_40 = vector.broadcast %sign3A_39 : i32 to vector<256x8xi32>
    %sign3A_41 = arith.cmpi slt, %iota3A, %sign3A_40 : vector<256x8xi32>
    %sign3A_42 = arith.extui %sign3A_41 : vector<256x8xi1> to vector<256x8xi32>
    %sign3A_43 = arith.subi %sign3A_38, %sign3A_42 : vector<256x8xi32>
    %sign3A_44 = arith.constant 0 : i32
    %sign3A_45 = arith.cmpi sgt, %jit3A, %sign3A_44 : i32
    %sign3A_46 = arith.extui %sign3A_45 : i1 to i32
    %sign3A_47 = arith.constant 0 : i32
    %sign3A_48 = arith.cmpi slt, %jit3A, %sign3A_47 : i32
    %sign3A_49 = arith.extui %sign3A_48 : i1 to i32
    %sign3A_50 = arith.subi %sign3A_46, %sign3A_49 : i32
    %ne3A = vector.broadcast %sign3A_50 : i32 to vector<256x8xi32>
    %ne3A_51 = arith.cmpi ne, %sign3A_43, %ne3A : vector<256x8xi32>
    %rem3A = vector.broadcast %jit3A : i32 to vector<256x8xi32>
    %rem3A_52 = arith.remsi %iota3A, %rem3A : vector<256x8xi32>
    %ne3A_53 = arith.constant 0 : i32
    %ne3A_54 = vector.broadcast %ne3A_53 : i32 to vector<256x8xi32>
    %ne3A_55 = arith.cmpi ne, %rem3A_52, %ne3A_54 : vector<256x8xi32>
    %and3A = arith.andi %ne3A_51, %ne3A_55 : vector<256x8xi1>
    %sub3A = arith.constant 1 : i32
    %sub3A_56 = vector.broadcast %sub3A : i32 to vector<256x8xi32>
    %sub3A_57 = arith.subi %div3A_35, %sub3A_56 : vector<256x8xi32>
    %select_n3A = arith.select %and3A, %sub3A_57, %div3A_35 : vector<256x8xi1>, vector<256x8xi32>
    %iota3A_58 = tpu.iota {dimensions = array<i32: 1>} : vector<256x8xi32>
    %eq3A = arith.cmpi eq, %select_n3A, %iota3A_58 : vector<256x8xi32>
    %convert_element_type3A = arith.extui %eq3A : vector<256x8xi1> to vector<256x8xi32>
    %convert_element_type3A_59 = arith.sitofp %convert_element_type3A : vector<256x8xi32> to vector<256x8xf32>
    %mul3A_60 = arith.mulf %add3A_34, %add3A_34 : vector<400x256xf32>
    %dot_general3A = arith.constant dense<0.000000e+00> : vector<400x8xf32>
    %dot_general3A_61 = tpu.matmul %mul3A_60, %convert_element_type3A_59, %dot_general3A {dimension_numbers = #tpu.dot_dimension_numbers<[1], [0], [0], [1], [0, 0, 1, 1], [], []>, transpose_lhs_hint = false} : vector<400x256xf32>, vector<256x8xf32>, vector<400x8xf32> -> vector<400x8xf32>
    %sqrt3A = math.sqrt %dot_general3A_61 : vector<400x8xf32>
    %max3A = arith.constant 9.99999996E-13 : f32
    %max3A_62 = vector.broadcast %max3A : f32 to vector<400x8xf32>
    %max3A_63 = arith.maximumf %sqrt3A, %max3A_62 : vector<400x8xf32>
    %div3A_64 = arith.constant 1.000000e+00 : f32
    %div3A_65 = vector.broadcast %div3A_64 : f32 to vector<400x8xf32>
    %div3A_66 = arith.divf %div3A_65, %max3A_63 : vector<400x8xf32>
    %transpose3A = tpu.transpose %convert_element_type3A_59, [1, 0] : vector<256x8xf32> -> vector<8x256xf32>
    %dot_general3A_67 = arith.constant dense<0.000000e+00> : vector<400x256xf32>
    %dot_general3A_68 = tpu.matmul %div3A_66, %transpose3A, %dot_general3A_67 {dimension_numbers = #tpu.dot_dimension_numbers<[1], [0], [0], [1], [0, 0, 1, 1], [], []>, transpose_lhs_hint = false} : vector<400x8xf32>, vector<8x256xf32>, vector<400x256xf32> -> vector<400x256xf32>
    %mul3A_69 = arith.mulf %add3A_34, %dot_general3A_68 : vector<400x256xf32>
    %swap3A = arith.constant 0 : index
    %swap3A_70 = arith.constant 0 : index
    %swap3A_71 = vector.load %arg5[%swap3A, %swap3A_70] : memref<400x256xf32, #tpu.memory_space<vmem>>, vector<400x256xf32>
    tpu.vector_store %arg5[%swap3A, %swap3A_70], %mul3A_69 {strides = array<i32>} : memref<400x256xf32, #tpu.memory_space<vmem>>, vector<400x256xf32>,
    return
  }
  func.func @transform_0(%arg0: i32) -> (i32, i32, i32) {
    %c0_i32 = arith.constant 0 : i32
    %c0_i32_0 = arith.constant 0 : i32
    %c0_i32_1 = arith.constant 0 : i32
    return %c0_i32, %arg0, %c0_i32_0 : i32, i32, i32
  }
  func.func @transform_1(%arg0: i32) -> (i32, i32, i32) {
    %c0_i32 = arith.constant 0 : i32
    %c0_i32_0 = arith.constant 0 : i32
    %c0_i32_1 = arith.constant 0 : i32
    return %c0_i32, %arg0, %c0_i32_0 : i32, i32, i32
  }
  func.func @transform_2(%arg0: i32) -> (i32, i32) {
    %c0_i32 = arith.constant 0 : i32
    %c0_i32_0 = arith.constant 0 : i32
    return %arg0, %c0_i32 : i32, i32
  }
  func.func @transform_3(%arg0: i32) -> (i32, i32) {
    %c0_i32 = arith.constant 0 : i32
    %c0_i32_0 = arith.constant 0 : i32
    %c0_i32_1 = arith.constant 0 : i32
    return %c0_i32, %c0_i32_0 : i32, i32
  }
  func.func @transform_4(%arg0: i32) -> (i32, i32) {
    %c0_i32 = arith.constant 0 : i32
    %c0_i32_0 = arith.constant 0 : i32
    return %arg0, %c0_i32 : i32, i32
  }
}

</mosaic_0001>

<sc_bundles>
// kernel: kernel.11.cloned.1.call-start
scs
__scs_entry_jumppad:
0x0: {  	(pc) =	sbr.rel $0x88, $3  }
0x1: {  	(tag) =	ssettag $0x0;
	lr =	simm.s32 $0x1  }
0x2: {  	[smem:$0x3F9B] =	sst lr;
	_ =	strace $0xD0000000  }
0x3: {  	_ = 	snop  }
0x4: {  	_ = 	snop  }
0x5: {  	_ = 	snop  }
0x6: {  	_ = 	snop  }
0x7: {  	_ = 	snop  }
__scs_overlays_trampoline_lowered:
0x8: {  	[smem:$0x3FAA] =	sst s0  }
0x9: {  	[smem:$0x3FAB] =	sst s1  }
0xa: {  	[smem:$0x3FAC] =	sst s2  }
0xb: {  	[smem:$0x3FAD] =	sst s3  }
0xc: {  	[smem:$0x3FAE] =	sst s4  }
0xd: {  	[smem:$0x3FAF] =	sst s5  }
0xe: {  	[smem:$0x3FB0] =	sst s6  }
0xf: {  	[smem:$0x3FB1] =	sst s7  }
0x10: {  	[smem:$0x3FB2] =	sst s8  }
0x11: {  	[smem:$0x3FB3] =	sst s9;
	s0 =	simm.s32 @!p0 $0x0  }
0x12: {  	s1 =	sld [smem:$0x3F99];
	s0 =	simm.s32 @p0 $0x1  }
0x13: {  	[smem:$0x3FB4] =	sst s0;
	s0 =	simm.s32 @!p1 $0x0  }
0x14: {  	s2 =	sld [smem:$0x3F98];
	s0 =	simm.s32 @p1 $0x1  }
0x15: {  	[smem:$0x3FB5] =	sst s0;
	s0 =	simm.s32 @!p2 $0x0  }
0x16: {  	s3 =	sld [smem:$0x3FDB];
	s0 =	simm.s32 @p2 $0x1  }
0x17: {  	s4 =	simm.s32 $0x1BF5;
	[smem:$0x3FB7] =	sst s0  }
0x18: {  	s0 =	sld [smem:$0x3F9A];
	_ =	swait.ge [sflag:s4], $0x0  }
0x19: {  	s7 =	sld [smem:$0x3F9B]  }
0x1a: {  	s8 =	sadd.s32 $0xFFFFE003, lr  }
0x1b: {  	s9 =	sadd.s32 $0xFFFFFEF7, lr;
	s5 =	simm.s32 $0xFFFFFFFF;
	p2 =	slt.u32 s8, $0xFFFFF086  }
0x1c: {  	p1 =	slt.u32 s9, $0xF7A;
	s5 =	simm.s32 @!p2 $0x0  }
0x1d: {  	s5 =	simm.s32 @p1 $0x1;
	p0 =	seq.s32 s7, s2  }
0x1e: {  	s7 =	smul.u32 @!p0 $0xF7A, s2;
	p2 =	seq.s32 @!p0 s5, $0x0  }
0x1f: {  	s9 =	smul.u32 $0xF7A, s1;
	s8 =	simm.s32 @!p0 $0x1BF5;
	p2 =	por !p2, p0  }
0x20: {  	[sflag:s8] =	ssyncset.s32 @!p0 $0xFFFFF086;
	s6 =	sadd.s32 @!p0 s3, s7;
	s7 =	simm.s32 @!p0 $0x108  }
0x21: {  	s3 =	sadd.s32 s3, s9;
	s6 =	sadd.s32 @!p0 $0x88, s6;
	s7 =	simm.s32 @p2 $0x1082  }
0x22: {  	[simem:s7], [sflag:s8] =	dma.local @!p0 [hbm:s6], $0xF7A  }
0x23: {  	s9 =	sor.u32 $0xD0000000, s2;
	s6 =	simm.s32 $0x108;
	_ =	swait.ge @!p0 [sflag:s8], $0x0  }
0x24: {  	s3 =	sadd.s32 $0x88, s3;
	s6 =	simm.s32 @!p1 $0x1082;
	[sflag:s4] =	ssyncset.s32 $0xFFFFF086  }
0x25: {  	[simem:s6], [sflag:s4] =	dma.local [hbm:s3], $0xF7A  }
0x26: {  	[smem:$0x3F9B] =	sst s1;
	(tag) =	ssettag s2;
	_ =	strace s9  }
0x27: {  	s1 =	sld [smem:$0x3FAB]  }
0x28: {  	s2 =	sld [smem:$0x3FAC]  }
0x29: {  	s4 =	sld [smem:$0x3FAE]  }
0x2a: {  	p0 =	seq.s32 s5, $0x0;
	s5 =	sld [smem:$0x3FAF]  }
0x2b: {  	s6 =	sld [smem:$0x3FB0]  }
0x2c: {  	s7 =	sld [smem:$0x3FB1]  }
0x2d: {  	s3 =	simm.s32 $0x108;
	s8 =	sld [smem:$0x3FB2]  }
0x2e: {  	s3 =	simm.s32 @!p0 $0x1082;
	s9 =	sld [smem:$0x3FB3]  }
0x2f: {  	lr =	sadd.s32 s0, s3;
	s0 =	sld [smem:$0x3FAA]  }
0x30: {  	s3 =	sld [smem:$0x3FAD]  }
0x31: {  	[smem:$0x3FB6] =	sst s10  }
0x32: {  	s10 =	sld [smem:$0x3FB4];
	_ =	sdelay $0x3  }
0x33: {  	p0 =	seq.s32 s10, $0x1;
	s10 =	sld [smem:$0x3FB6];
	_ =	sdelay $0x3  }
0x34: {  	[smem:$0x3FB6] =	sst s10  }
0x35: {  	s10 =	sld [smem:$0x3FB5];
	_ =	sdelay $0x3  }
0x36: {  	p1 =	seq.s32 s10, $0x1;
	s10 =	sld [smem:$0x3FB6];
	_ =	sdelay $0x3  }
0x37: {  	[smem:$0x3FB6] =	sst s10  }
0x38: {  	s10 =	sld [smem:$0x3FB7]  }
0x39: {  	_ = 	snop;
	(pc) =	sbr.ind lr, $3  }
0x3a: {  	_ = 	snop  }
0x3b: {  	_ = 	snop  }
0x3c: {  	p2 =	seq.s32 s10, $0x1;
	s10 =	sld [smem:$0x3FB6]  }
0x3d: {  	_ =	shalt  }
0x3e: {  	_ =	shalt  }
0x3f: {  	_ =	shalt  }
0x40: {  	_ =	shalt  }
0x41: {  	_ =	shalt  }
0x42: {  	_ =	shalt  }
0x43: {  	_ =	shalt  }
0x44: {  	_ =	shalt  }
0x45: {  	_ =	shalt  }
0x46: {  	_ =	shalt  }
0x47: {  	_ =	shalt  }
0x48: {  	_ =	shalt  }
0x49: {  	_ =	shalt  }
0x4a: {  	_ =	shalt  }
0x4b: {  	_ =	shalt  }
0x4c: {  	_ =	shalt  }
0x4d: {  	_ =	shalt  }
0x4e: {  	_ =	shalt  }
0x4f: {  	_ =	shalt  }
0x50: {  	_ =	shalt  }
0x51: {  	_ =	shalt  }
0x52: {  	_ =	shalt  }
0x53: {  	_ =	shalt  }
0x54: {  	_ =	shalt  }
0x55: {  	_ =	shalt  }
0x56: {  	_ =	shalt  }
0x57: {  	_ =	shalt  }
0x58: {  	_ =	shalt  }
0x59: {  	_ =	shalt  }
0x5a: {  	_ =	shalt  }
0x5b: {  	_ =	shalt  }
0x5c: {  	_ =	shalt  }
0x5d: {  	_ =	shalt  }
0x5e: {  	_ =	shalt  }
0x5f: {  	_ =	shalt  }
0x60: {  	_ =	shalt  }
0x61: {  	_ =	shalt  }
0x62: {  	_ =	shalt  }
0x63: {  	_ =	shalt  }
0x64: {  	_ =	shalt  }
0x65: {  	_ =	shalt  }
0x66: {  	_ =	shalt  }
0x67: {  	_ =	shalt  }
0x68: {  	_ =	shalt  }
0x69: {  	_ =	shalt  }
0x6a: {  	_ =	shalt  }
0x6b: {  	_ =	shalt  }
0x6c: {  	_ =	shalt  }
0x6d: {  	_ =	shalt  }
0x6e: {  	_ =	shalt  }
0x6f: {  	_ =	shalt  }
0x70: {  	_ =	shalt  }
0x71: {  	_ =	shalt  }
0x72: {  	_ =	shalt  }
0x73: {  	_ =	shalt  }
0x74: {  	_ =	shalt  }
0x75: {  	_ =	shalt  }
0x76: {  	_ =	shalt  }
0x77: {  	_ =	shalt  }
0x78: {  	_ =	shalt  }
0x79: {  	_ =	shalt  }
0x7a: {  	_ =	shalt  }
0x7b: {  	_ =	shalt  }
0x7c: {  	_ =	shalt  }
0x7d: {  	_ =	shalt  }
0x7e: {  	_ =	shalt  }
0x7f: {  	_ =	shalt  }
0x80: {  	_ =	shalt  }
0x81: {  	_ =	shalt  }
0x82: {  	_ =	shalt  }
0x83: {  	_ =	shalt  }
0x84: {  	_ =	shalt  }
0x85: {  	_ =	shalt  }
0x86: {  	_ =	shalt  }
0x87: {  	_ =	shalt  }
.Lfunc_end0:
.L_simem_size_0:
called_computation.1_lowered:
.L_overlay_start_0:
0x88: {  	s2 =	sld [smem:$0x3FD9]  }
0x89: {  	s3 =	sld [smem:$0x3FFE];
	_ =	sdelay $0x1  }
0x8a: {  	s1 =	srdreg.scid  }
0x8b: {  	s0 =	sand.u32 $0x1, s1  }
0x8c: {  	s16 =	sshll.u32 s0, $0xA;
	s2 =	sadd.s32 s3, s2  }
0x8d: {  	s2 =	sadd.s32 s2, s16  }
0x8e: {  	[smem:$0x3FC2] =	sst s2  }
0x8f: {  	_ = 	snop  }
0x90: {  	(tm) =	ssettm $0x1  }
0x91: {  	s17 =	sld [smem:$0x3FFB];
	_ =	sdelay $0x3  }
0x92: {  	_ =	strace s17  }
0x93: {  	s2 =	sld [smem:$0x3FFC];
	_ =	sdelay $0x3  }
0x94: {  	_ =	strace s2  }
0x95: {  	s2 =	sld [smem:$0x3FFD];
	_ =	sdelay $0x3  }
0x96: {  	_ =	strace s2  }
0x97: {  	_ =	strace $0x8FFFFFFF  }
0x98: {  	s18 =	sld [smem:$0x3FDB];
	_ =	sdelay $0x1  }
0x99: {  	s19 =	simm.s32 $_scs_section_size  }
0x9a: {  	s4 =	simm.s32 $_size__tile_overlayer_lowered;
	s5 =	simm.s32 $_tile_overlayer_lowered  }
0x9b: {  	s22 =	simm.s32 $0x1BFF;
	s21 =	sshll.u32 s5, $0x1;
	s2 =	sadd.s32 s19, s18  }
0x9c: {  	s6 =	simm.s32 $0x0;
	s20 =	sshll.u32 s4, $0x1;
	s4 =	sadd.s32 s21, s2  }
0x9d: {  	[timem:s6], [sflag:s22] =	dma.local [hbm:s4], s20  }
0x9e: {  	_ =	swait.ge [sflag:s22], s20  }
0x9f: {  	s3 =	ssub.s32 $0x0, s20;
	[sflag:s22] =	ssyncset.done $0x0  }
0xa0: {  	[sflag:s22] =	ssyncadd.s32 s3;
	_ =	sdelay $0x1  }
0xa1: {  	s23 =	simm.s32 $0x1B8B  }
0xa2: {  	_ =	swait.ge [sflag:s23], $0x1  }
0xa3: {  	[sflag:s23] =	ssyncset.done $0x0  }
0xa4: {  	s25 =	simm.s32 $0x1B8E;
	s24 =	sld [smem:$0x3FFE];
	[sflag:s23] =	ssyncadd.s32 $0xFFFFFFFF  }
0xa5: {  	s26 =	simm.s32 $execute0_lowered;
	[smem:$0x3FD2] =	sst s25  }
0xa6: {  	s4 =	sshll.u32 s26, $0x1;
	_ =	strace $0x80000049;
	[dreg:$0x1] =	wrdreg $0xFFFFFFFF  }
0xa7: {  	s28 =	simm.s32 $_size_execute0_lowered;
	s2 =	sadd.s32 s2, s4;
	[dreg:$0x0] =	wrdreg $0x0  }
0xa8: {  	s4 =	sshll.u32 s28, $0x1;
	[dreg:$0x2] =	wrdreg s2  }
0xa9: {  	[dreg:$0x3] =	wrdreg s4  }
0xaa: {  	[dreg:$0x4] =	wrdreg $0xC0  }
0xab: {  	_ =	task [dreg:s6], $0x5FFFF  }
0xac: {  	[dreg:$0x1] =	wrdreg $0xFFFFFFFF  }
0xad: {  	[dreg:$0x0] =	wrdreg $0x60  }
0xae: {  	[dreg:$0x2] =	wrdreg s24  }
0xaf: {  	[dreg:$0x3] =	wrdreg $0xA8000  }
0xb0: {  	[dreg:$0x4] =	wrdreg $0x9  }
0xb1: {  	_ =	task.clear_ibuf [dreg:s6], $0x5FFFF;
	_ =	strace $0x90000049  }
0xb2: {  	s29 =	simm.s32 $0x9;
	_ =	strace $0x8000004B  }
0xb3: {  	_ =	swait.ge [sflag:s29], $0x1  }
0xb4: {  	[sflag:s29] =	ssyncadd.s32 $0xFFFFFFFF  }
0xb5: {  	_ =	strace $0x9000004B  }
0xb6: {  	_ =	sfence  }
0xb7: {  	s30 =	sld [smem:$0x0];
	_ =	sdelay $0x2  }
0xb8: {  	s31 =	sshll.u32 s1, $0xD;
	s1 =	sshrl.u32 s1, $0x2  }
0xb9: {  	s3 =	sand.u32 $0x4000, s31;
	s1 =	sadd.s32 s1, s30  }
0xba: {  	s0 =	sor.u32 s3, s0;
	s1 =	sshll.u32 s1, $0x11  }
0xbb: {  	s0 =	sor.u32 s1, s0  }
0xbc: {  	s0 =	sadd.s32 $0x8F2B, s0  }
0xbd: {  	[sflag:s0] =	ssyncadd.remote.s32 $0x1  }
0xbe: {  	_ =	sfence.sel $0xFFFF  }
0xbf: {  	[dreg:$0x0] =	wrdreg $0xFFFFFFFF;
	(pc) =	sbr.abs _section_cstart, $3  }
0xc0: {  	[dreg:$0x1] =	wrdreg $0xFFFFFFFF  }
0xc1: {  	_ =	task.clear_ibuf [dreg:s6], $0x2FFFF;
	_ =	strace $0x9FFFFFFF  }
0xc2: {  	(tm) =	ssettm $0x7FFFFFFF  }
0xc3: {  	_ =	shalt  }
tec
execute0_lowered:
.L_overlay_start_1:
0x0: {  	(tag) =	ssettag $0x1  }
0x1: {  	s6 =	rddreg [dreg:$0x0]  }
0x2: {  	s2 =	rddreg [dreg:$0x1]  }
0x3: {  	s0 =	rddreg [dreg:$0x2]  }
0x4: {  	s1 =	stileid.u32;
	s4 =	srdreg.scid  }
0x5: {  	s3 =	simm.s32 $0x0;
	s12 =	simm.s32 $0x2;
	s13 =	simm.s32 $0x4000  }
0x6: {  	s14 =	simm.s32 $0x50;
	s15 =	simm.s32 $0x8000;
	s16 =	simm.s32 $0x1  }
0x7: {  	s17 =	simm.s32 $0x0;
	s7 =	sand.u32 $0x1, s4;
	s5 =	smul.u32 $0x2800, s1  }
0x8: {  	[smem:$0x7FF] =	sst s3;
	s8 =	sshll.u32 s1, $0xB;
	s11 =	smul.u32 $0x50000, s1  }
0x9: {  	s4 =	sadd.s32 $0x6DC00, s6;
	s31 =	sshll.u32 s1, $0x6;
	s9 =	smul.u32 $0x28000, s7  }
0xa: {  	_ =	strace $0x8000004A;
	s8 =	sadd.s32 s8, s6;
	s10 =	ssub.s32 $0x2, s7  }
0xb: {  	s7 =	sshll.u32 s7, $0xF;
	s29 =	sshrl.u32 s10, $0x1;
	s30 =	sshrl.u32 s11, $0x2  }
0xc: {  	s7 =	sadd.s32 s7, s8;
	s8 =	sadd.s32 $0x55C00, s8;
	s9 =	sadd.s32 s5, s9  }
0xd: {  	s5 =	sadd.s32 $0x3400, s6;
	s10 =	ssub.s32 s10, s29;
	s11 =	sadd.s32 s30, s2  }
0xe: {  	s7 =	sadd.s32 $0x5DC00, s7;
	s9 =	sadd.s32 s9, s6;
	s6 =	sor.u32 $0x1C02, s31  }
0xf: {  	s10 =	smax.u32 s10, $0x1;
	s11 =	sshrl.u32 s11, $0x3;
	s9 =	sadd.s32 $0xBDC00, s9  }
.LBB2_1:
0x10: {  	[spmem:s11], [sflag:s6] =	dma.local [hbm:s5], $0x2800  }
0x11: {  	_ =	swait.ge [sflag:s12], $0x2800  }
0x12: {  	[sflag:s12] =	ssyncset.done $0x0  }
0x13: {  	[sflag:s12] =	ssyncadd.s32 $0xFFFFD800  }
0x14: {  	[tilespmem:s3], [sflag:$0x2] =	stream.linear.gather [hbm4b:s7+s3], $0x3E80, $0x38;
	[tilespmem:$0x1E800] =	vst v63  }
0x15: {  	_ =	swait.ge [sflag:s12], $0x3E80  }
0x16: {  	[sflag:s12] =	ssyncset.done $0x0  }
0x17: {  	[sflag:s12] =	ssyncadd.s32 $0xFFFFC180  }
0x18: {  	[tilespmem:s13], [sflag:$0x2] =	stream.linear.gather [hbm4b:s8+s3], $0x3E80, $0x38;
	[tilespmem:$0x1E800] =	vst v63  }
0x19: {  	_ =	swait.ge [sflag:s12], $0x3E80  }
0x1a: {  	[sflag:s12] =	ssyncset.done $0x0  }
0x1b: {  	[sflag:s12] =	ssyncadd.s32 $0xFFFFC180  }
0x1c: {  	s18 =	simm.s32 $0x0;
	[bflag:$0x0] =	sbarrier.arrive $0xFFFF  }
0x1d: {  	[tilespmem:s15], [sflag:$0x1] =	stream.indirect.gather [hbm4b:s4+s14], $0x80, s18, s14, $0xb8;
	[tilespmem:$0x1E800] =	vst v63  }
0x1e: {  	_ =	swait.ge [sflag:s16], $0x2800  }
0x1f: {  	[sflag:s16] =	ssyncset.done $0x0  }
0x20: {  	s31 =	simm.s32 $0x4000;
	[sflag:s16] =	ssyncadd.s32 $0xFFFFD800  }
0x21: {  	[spmem:s2] =	stream.indirect.scatter.add.f32 [tilespmem:s15], [sflag:$0x2], $0x80, s31, s14, $0xb8;
	[tilespmem:$0x1E800] =	vst v63  }
0x22: {  	_ =	swait.ge [sflag:s12], $0x2800  }
0x23: {  	s19 =	simm.s32 $0x400;
	s18 =	simm.s32 $0x200;
	[sflag:s12] =	ssyncset.done $0x0  }
.LBB2_2:
0x24: {  	s20 =	sshra.s32 s18, $0x2  }
0x25: {  	[sflag:s12] =	ssyncadd.s32 $0xFFFFD800;
	s18 =	smov.u32 s19;
	s21 =	sadd.s32 $0x200, s19  }
0x26: {  	[tilespmem:s15], [sflag:$0x1] =	stream.indirect.gather [hbm4b:s4+s14], $0x80, s20, s14, $0xb8;
	[tilespmem:$0x1E800] =	vst v63  }
0x27: {  	p0 =	sne.s32 s19, $0xF800;
	_ =	swait.ge [sflag:s16], $0x2800  }
.Ltmp0:
0x28: {  	[sflag:s16] =	ssyncset.done $0x0;
	(pc) =	sbr.rel @p0 .LBB2_2-.Ltmp0, $4  }
0x29: {  	s19 =	sadd.s32 $0x4000, s20;
	[sflag:s16] =	ssyncadd.s32 $0xFFFFD800  }
0x2a: {  	[spmem:s2] =	stream.indirect.scatter.add.f32 [tilespmem:s15], [sflag:$0x2], $0x80, s19, s14, $0xb8;
	[tilespmem:$0x1E800] =	vst v63  }
0x2b: {  	_ =	swait.ge [sflag:s12], $0x2800  }
0x2c: {  	s19 =	smov.u32 s21;
	[sflag:s12] =	ssyncset.done $0x0  }
0x2d: {  	s18 =	sshra.s32 s18, $0x2;
	[sflag:s12] =	ssyncadd.s32 $0xFFFFD800  }
0x2e: {  	[tilespmem:s15], [sflag:$0x1] =	stream.indirect.gather [hbm4b:s4+s14], $0x80, s18, s14, $0xb8;
	[tilespmem:$0x1E800] =	vst v63  }
0x2f: {  	_ =	swait.ge [sflag:s16], $0x2800  }
0x30: {  	[sflag:s16] =	ssyncset.done $0x0  }
0x31: {  	s18 =	sadd.s32 $0x4000, s18;
	[sflag:s16] =	ssyncadd.s32 $0xFFFFD800  }
0x32: {  	[spmem:s2] =	stream.indirect.scatter.add.f32 [tilespmem:s15], [sflag:$0x2], $0x80, s18, s14, $0xb8;
	[tilespmem:$0x1E800] =	vst v63  }
0x33: {  	_ =	swait.ge [sflag:s12], $0x2800  }
0x34: {  	s17 =	sadd.s32 $0x1, s17;
	[sflag:s12] =	ssyncset.done $0x0  }
0x35: {  	p0 =	sne.s32 s17, s10;
	[sflag:s12] =	ssyncadd.s32 $0xFFFFD800  }
.Ltmp1:
0x36: {  	[bflag:$0x0] =	sbarrier.arrive $0xFFFF;
	(pc) =	sbr.rel @p0 .LBB2_1-.Ltmp1, $4  }
0x37: {  	[hbm:s9], [sflag:s6] =	dma.local [spmem:s11], $0x2800  }
0x38: {  	_ =	swait.ge [sflag:s12], $0x2800  }
0x39: {  	[sflag:s12] =	ssyncset.done $0x0  }
0x3a: {  	[sflag:s12] =	ssyncadd.s32 $0xFFFFD800  }
0x3b: {  	_ =	sfence.sel $0x180000  }
0x3c: {  	[bflag:$0x0] =	sbarrier.arrive $0xFFFF  }
0x3d: {  	p0 =	sne.s32 s1, $0x0;
	_ =	strace $0x9000004A  }
0x3e: {  	s0 =	sadd.s32 @!p0 $0x100000, s0;
	[bflag:$0x2] =	sbarrier.arrive $0xFFFF  }
0x3f: {  	[sflag:s0] =	ssyncadd.tile.s32 @!p0 $0x1;
	_ =	shalt  }
.Lfunc_end2:
_tile_overlayer_lowered:
.L_overlay_start_2:
0x40: {  	(tag) =	ssettag $0x2  }
0x41: {  	s0 =	rddreg [dreg:$0x0];
	s2 =	stileid.u32  }
0x42: {  	s1 =	rddreg [dreg:$0x1];
	p0 =	sne.s32 s2, $0x0  }
0x43: {  	s3 =	rddreg [dreg:$0x2];
	[bflag:$0x3] =	sbarrier.arrive $0xFFFF;
	s2 =	simm.s32 @!p0 $0x1C02  }
0x44: {  	[timem:s3], [sflag:s2] =	dma.local @!p0 [hbm:s0], s1  }
0x45: {  	s0 =	simm.s32 @!p0 $0x2  }
0x46: {  	_ =	swait.ge @!p0 [sflag:s0], s1  }
0x47: {  	s1 =	ssub.s32 @!p0 $0x0, s1;
	[sflag:s0] =	ssyncset.done @!p0 $0x0  }
0x48: {  	[sflag:s0] =	ssyncadd.s32 @!p0 s1  }
0x49: {  	[bflag:$0x3] =	sbarrier.arrive $0xFFFF  }
0x4a: {  	_ =	shalt  }

// kernel: kernel.14.cloned.1.call-start
scs
__scs_entry_jumppad:
0x0: {  	(pc) =	sbr.rel $0x88, $3  }
0x1: {  	(tag) =	ssettag $0x0;
	lr =	simm.s32 $0x1  }
0x2: {  	[smem:$0x3F9B] =	sst lr;
	_ =	strace $0xD0000000  }
0x3: {  	_ = 	snop  }
0x4: {  	_ = 	snop  }
0x5: {  	_ = 	snop  }
0x6: {  	_ = 	snop  }
0x7: {  	_ = 	snop  }
__scs_overlays_trampoline_lowered:
0x8: {  	[smem:$0x3FAA] =	sst s0  }
0x9: {  	[smem:$0x3FAB] =	sst s1  }
0xa: {  	[smem:$0x3FAC] =	sst s2  }
0xb: {  	[smem:$0x3FAD] =	sst s3  }
0xc: {  	[smem:$0x3FAE] =	sst s4  }
0xd: {  	[smem:$0x3FAF] =	sst s5  }
0xe: {  	[smem:$0x3FB0] =	sst s6  }
0xf: {  	[smem:$0x3FB1] =	sst s7  }
0x10: {  	[smem:$0x3FB2] =	sst s8  }
0x11: {  	[smem:$0x3FB3] =	sst s9;
	s0 =	simm.s32 @!p0 $0x0  }
0x12: {  	s1 =	sld [smem:$0x3F99];
	s0 =	simm.s32 @p0 $0x1  }
0x13: {  	[smem:$0x3FB4] =	sst s0;
	s0 =	simm.s32 @!p1 $0x0  }
0x14: {  	s2 =	sld [smem:$0x3F98];
	s0 =	simm.s32 @p1 $0x1  }
0x15: {  	[smem:$0x3FB5] =	sst s0;
	s0 =	simm.s32 @!p2 $0x0  }
0x16: {  	s3 =	sld [smem:$0x3FDB];
	s0 =	simm.s32 @p2 $0x1  }
0x17: {  	s4 =	simm.s32 $0x1BF5;
	[smem:$0x3FB7] =	sst s0  }
0x18: {  	s0 =	sld [smem:$0x3F9A];
	_ =	swait.ge [sflag:s4], $0x0  }
0x19: {  	s7 =	sld [smem:$0x3F9B]  }
0x1a: {  	s8 =	sadd.s32 $0xFFFFE003, lr  }
0x1b: {  	s9 =	sadd.s32 $0xFFFFFEF7, lr;
	s5 =	simm.s32 $0xFFFFFFFF;
	p2 =	slt.u32 s8, $0xFFFFF086  }
0x1c: {  	p1 =	slt.u32 s9, $0xF7A;
	s5 =	simm.s32 @!p2 $0x0  }
0x1d: {  	s5 =	simm.s32 @p1 $0x1;
	p0 =	seq.s32 s7, s2  }
0x1e: {  	s7 =	smul.u32 @!p0 $0xF7A, s2;
	p2 =	seq.s32 @!p0 s5, $0x0  }
0x1f: {  	s9 =	smul.u32 $0xF7A, s1;
	s8 =	simm.s32 @!p0 $0x1BF5;
	p2 =	por !p2, p0  }
0x20: {  	[sflag:s8] =	ssyncset.s32 @!p0 $0xFFFFF086;
	s6 =	sadd.s32 @!p0 s3, s7;
	s7 =	simm.s32 @!p0 $0x108  }
0x21: {  	s3 =	sadd.s32 s3, s9;
	s6 =	sadd.s32 @!p0 $0x88, s6;
	s7 =	simm.s32 @p2 $0x1082  }
0x22: {  	[simem:s7], [sflag:s8] =	dma.local @!p0 [hbm:s6], $0xF7A  }
0x23: {  	s9 =	sor.u32 $0xD0000000, s2;
	s6 =	simm.s32 $0x108;
	_ =	swait.ge @!p0 [sflag:s8], $0x0  }
0x24: {  	s3 =	sadd.s32 $0x88, s3;
	s6 =	simm.s32 @!p1 $0x1082;
	[sflag:s4] =	ssyncset.s32 $0xFFFFF086  }
0x25: {  	[simem:s6], [sflag:s4] =	dma.local [hbm:s3], $0xF7A  }
0x26: {  	[smem:$0x3F9B] =	sst s1;
	(tag) =	ssettag s2;
	_ =	strace s9  }
0x27: {  	s1 =	sld [smem:$0x3FAB]  }
0x28: {  	s2 =	sld [smem:$0x3FAC]  }
0x29: {  	s4 =	sld [smem:$0x3FAE]  }
0x2a: {  	p0 =	seq.s32 s5, $0x0;
	s5 =	sld [smem:$0x3FAF]  }
0x2b: {  	s6 =	sld [smem:$0x3FB0]  }
0x2c: {  	s7 =	sld [smem:$0x3FB1]  }
0x2d: {  	s3 =	simm.s32 $0x108;
	s8 =	sld [smem:$0x3FB2]  }
0x2e: {  	s3 =	simm.s32 @!p0 $0x1082;
	s9 =	sld [smem:$0x3FB3]  }
0x2f: {  	lr =	sadd.s32 s0, s3;
	s0 =	sld [smem:$0x3FAA]  }
0x30: {  	s3 =	sld [smem:$0x3FAD]  }
0x31: {  	[smem:$0x3FB6] =	sst s10  }
0x32: {  	s10 =	sld [smem:$0x3FB4];
	_ =	sdelay $0x3  }
0x33: {  	p0 =	seq.s32 s10, $0x1;
	s10 =	sld [smem:$0x3FB6];
	_ =	sdelay $0x3  }
0x34: {  	[smem:$0x3FB6] =	sst s10  }
0x35: {  	s10 =	sld [smem:$0x3FB5];
	_ =	sdelay $0x3  }
0x36: {  	p1 =	seq.s32 s10, $0x1;
	s10 =	sld [smem:$0x3FB6];
	_ =	sdelay $0x3  }
0x37: {  	[smem:$0x3FB6] =	sst s10  }
0x38: {  	s10 =	sld [smem:$0x3FB7]  }
0x39: {  	_ = 	snop;
	(pc) =	sbr.ind lr, $3  }
0x3a: {  	_ = 	snop  }
0x3b: {  	_ = 	snop  }
0x3c: {  	p2 =	seq.s32 s10, $0x1;
	s10 =	sld [smem:$0x3FB6]  }
0x3d: {  	_ =	shalt  }
0x3e: {  	_ =	shalt  }
0x3f: {  	_ =	shalt  }
0x40: {  	_ =	shalt  }
0x41: {  	_ =	shalt  }
0x42: {  	_ =	shalt  }
0x43: {  	_ =	shalt  }
0x44: {  	_ =	shalt  }
0x45: {  	_ =	shalt  }
0x46: {  	_ =	shalt  }
0x47: {  	_ =	shalt  }
0x48: {  	_ =	shalt  }
0x49: {  	_ =	shalt  }
0x4a: {  	_ =	shalt  }
0x4b: {  	_ =	shalt  }
0x4c: {  	_ =	shalt  }
0x4d: {  	_ =	shalt  }
0x4e: {  	_ =	shalt  }
0x4f: {  	_ =	shalt  }
0x50: {  	_ =	shalt  }
0x51: {  	_ =	shalt  }
0x52: {  	_ =	shalt  }
0x53: {  	_ =	shalt  }
0x54: {  	_ =	shalt  }
0x55: {  	_ =	shalt  }
0x56: {  	_ =	shalt  }
0x57: {  	_ =	shalt  }
0x58: {  	_ =	shalt  }
0x59: {  	_ =	shalt  }
0x5a: {  	_ =	shalt  }
0x5b: {  	_ =	shalt  }
0x5c: {  	_ =	shalt  }
0x5d: {  	_ =	shalt  }
0x5e: {  	_ =	shalt  }
0x5f: {  	_ =	shalt  }
0x60: {  	_ =	shalt  }
0x61: {  	_ =	shalt  }
0x62: {  	_ =	shalt  }
0x63: {  	_ =	shalt  }
0x64: {  	_ =	shalt  }
0x65: {  	_ =	shalt  }
0x66: {  	_ =	shalt  }
0x67: {  	_ =	shalt  }
0x68: {  	_ =	shalt  }
0x69: {  	_ =	shalt  }
0x6a: {  	_ =	shalt  }
0x6b: {  	_ =	shalt  }
0x6c: {  	_ =	shalt  }
0x6d: {  	_ =	shalt  }
0x6e: {  	_ =	shalt  }
0x6f: {  	_ =	shalt  }
0x70: {  	_ =	shalt  }
0x71: {  	_ =	shalt  }
0x72: {  	_ =	shalt  }
0x73: {  	_ =	shalt  }
0x74: {  	_ =	shalt  }
0x75: {  	_ =	shalt  }
0x76: {  	_ =	shalt  }
0x77: {  	_ =	shalt  }
0x78: {  	_ =	shalt  }
0x79: {  	_ =	shalt  }
0x7a: {  	_ =	shalt  }
0x7b: {  	_ =	shalt  }
0x7c: {  	_ =	shalt  }
0x7d: {  	_ =	shalt  }
0x7e: {  	_ =	shalt  }
0x7f: {  	_ =	shalt  }
0x80: {  	_ =	shalt  }
0x81: {  	_ =	shalt  }
0x82: {  	_ =	shalt  }
0x83: {  	_ =	shalt  }
0x84: {  	_ =	shalt  }
0x85: {  	_ =	shalt  }
0x86: {  	_ =	shalt  }
0x87: {  	_ =	shalt  }
.Lfunc_end0:
.L_simem_size_0:
called_computation.2_lowered:
.L_overlay_start_0:
0x88: {  	s2 =	sld [smem:$0x3FD9]  }
0x89: {  	s3 =	sld [smem:$0x3FFE];
	_ =	sdelay $0x1  }
0x8a: {  	s1 =	srdreg.scid  }
0x8b: {  	s0 =	sand.u32 $0x1, s1  }
0x8c: {  	s16 =	sshll.u32 s0, $0xA;
	s2 =	sadd.s32 s3, s2  }
0x8d: {  	s2 =	sadd.s32 s2, s16  }
0x8e: {  	[smem:$0x3FC2] =	sst s2  }
0x8f: {  	_ = 	snop  }
0x90: {  	(tm) =	ssettm $0x1  }
0x91: {  	s17 =	sld [smem:$0x3FFB];
	_ =	sdelay $0x3  }
0x92: {  	_ =	strace s17  }
0x93: {  	s2 =	sld [smem:$0x3FFC];
	_ =	sdelay $0x3  }
0x94: {  	_ =	strace s2  }
0x95: {  	s2 =	sld [smem:$0x3FFD];
	_ =	sdelay $0x3  }
0x96: {  	_ =	strace s2  }
0x97: {  	_ =	strace $0x8FFFFFFF  }
0x98: {  	s18 =	sld [smem:$0x3FDB];
	_ =	sdelay $0x1  }
0x99: {  	s19 =	simm.s32 $_scs_section_size  }
0x9a: {  	s4 =	simm.s32 $_size__tile_overlayer_lowered;
	s5 =	simm.s32 $_tile_overlayer_lowered  }
0x9b: {  	s22 =	simm.s32 $0x1BFF;
	s21 =	sshll.u32 s5, $0x1;
	s2 =	sadd.s32 s19, s18  }
0x9c: {  	s6 =	simm.s32 $0x0;
	s20 =	sshll.u32 s4, $0x1;
	s4 =	sadd.s32 s21, s2  }
0x9d: {  	[timem:s6], [sflag:s22] =	dma.local [hbm:s4], s20  }
0x9e: {  	_ =	swait.ge [sflag:s22], s20  }
0x9f: {  	s3 =	ssub.s32 $0x0, s20;
	[sflag:s22] =	ssyncset.done $0x0  }
0xa0: {  	[sflag:s22] =	ssyncadd.s32 s3;
	_ =	sdelay $0x1  }
0xa1: {  	s23 =	simm.s32 $0x1B8B  }
0xa2: {  	_ =	swait.ge [sflag:s23], $0x1  }
0xa3: {  	[sflag:s23] =	ssyncset.done $0x0  }
0xa4: {  	s25 =	simm.s32 $0x1B8E;
	s24 =	sld [smem:$0x3FFE];
	[sflag:s23] =	ssyncadd.s32 $0xFFFFFFFF  }
0xa5: {  	s26 =	simm.s32 $execute0_lowered;
	[smem:$0x3FD2] =	sst s25  }
0xa6: {  	s4 =	sshll.u32 s26, $0x1;
	_ =	strace $0x8000004C;
	[dreg:$0x1] =	wrdreg $0xFFFFFFFF  }
0xa7: {  	s28 =	simm.s32 $_size_execute0_lowered;
	s2 =	sadd.s32 s2, s4;
	[dreg:$0x0] =	wrdreg $0x0  }
0xa8: {  	s4 =	sshll.u32 s28, $0x1;
	[dreg:$0x2] =	wrdreg s2  }
0xa9: {  	[dreg:$0x3] =	wrdreg s4  }
0xaa: {  	[dreg:$0x4] =	wrdreg $0xC0  }
0xab: {  	_ =	task [dreg:s6], $0x5FFFF  }
0xac: {  	[dreg:$0x1] =	wrdreg $0xFFFFFFFF  }
0xad: {  	[dreg:$0x0] =	wrdreg $0x60  }
0xae: {  	[dreg:$0x2] =	wrdreg s24  }
0xaf: {  	[dreg:$0x3] =	wrdreg $0xA8000  }
0xb0: {  	[dreg:$0x4] =	wrdreg $0x9  }
0xb1: {  	_ =	task.clear_ibuf [dreg:s6], $0x5FFFF;
	_ =	strace $0x9000004C  }
0xb2: {  	s29 =	simm.s32 $0x9;
	_ =	strace $0x8000004E  }
0xb3: {  	_ =	swait.ge [sflag:s29], $0x1  }
0xb4: {  	[sflag:s29] =	ssyncadd.s32 $0xFFFFFFFF  }
0xb5: {  	_ =	strace $0x9000004E  }
0xb6: {  	_ =	sfence  }
0xb7: {  	s30 =	sld [smem:$0x0];
	_ =	sdelay $0x2  }
0xb8: {  	s31 =	sshll.u32 s1, $0xD;
	s1 =	sshrl.u32 s1, $0x2  }
0xb9: {  	s3 =	sand.u32 $0x4000, s31;
	s1 =	sadd.s32 s1, s30  }
0xba: {  	s0 =	sor.u32 s3, s0;
	s1 =	sshll.u32 s1, $0x11  }
0xbb: {  	s0 =	sor.u32 s1, s0  }
0xbc: {  	s0 =	sadd.s32 $0x8F2B, s0  }
0xbd: {  	[sflag:s0] =	ssyncadd.remote.s32 $0x1  }
0xbe: {  	_ =	sfence.sel $0xFFFF  }
0xbf: {  	[dreg:$0x0] =	wrdreg $0xFFFFFFFF;
	(pc) =	sbr.abs _section_cstart, $3  }
0xc0: {  	[dreg:$0x1] =	wrdreg $0xFFFFFFFF  }
0xc1: {  	_ =	task.clear_ibuf [dreg:s6], $0x2FFFF;
	_ =	strace $0x9FFFFFFF  }
0xc2: {  	(tm) =	ssettm $0x7FFFFFFF  }
0xc3: {  	_ =	shalt  }
tec
execute0_lowered:
.L_overlay_start_1:
0x0: {  	(tag) =	ssettag $0x1  }
0x1: {  	s6 =	rddreg [dreg:$0x0]  }
0x2: {  	s2 =	rddreg [dreg:$0x1]  }
0x3: {  	s0 =	rddreg [dreg:$0x2]  }
0x4: {  	s1 =	stileid.u32;
	s4 =	srdreg.scid  }
0x5: {  	s3 =	simm.s32 $0x0;
	s12 =	simm.s32 $0x2;
	s13 =	simm.s32 $0x4000  }
0x6: {  	s14 =	simm.s32 $0x50;
	s15 =	simm.s32 $0x8000;
	s16 =	simm.s32 $0x1  }
0x7: {  	s17 =	simm.s32 $0x0;
	s7 =	sand.u32 $0x1, s4;
	s5 =	smul.u32 $0x2800, s1  }
0x8: {  	[smem:$0x7FF] =	sst s3;
	s8 =	sshll.u32 s1, $0xB;
	s11 =	smul.u32 $0x50000, s1  }
0x9: {  	s4 =	sadd.s32 $0x6DC00, s6;
	s31 =	sshll.u32 s1, $0x6;
	s9 =	smul.u32 $0x28000, s7  }
0xa: {  	_ =	strace $0x8000004D;
	s8 =	sadd.s32 s8, s6;
	s10 =	ssub.s32 $0x2, s7  }
0xb: {  	s7 =	sshll.u32 s7, $0xF;
	s29 =	sshrl.u32 s10, $0x1;
	s30 =	sshrl.u32 s11, $0x2  }
0xc: {  	s7 =	sadd.s32 s7, s8;
	s8 =	sadd.s32 $0x55C00, s8;
	s9 =	sadd.s32 s5, s9  }
0xd: {  	s5 =	sadd.s32 $0x3400, s6;
	s10 =	ssub.s32 s10, s29;
	s11 =	sadd.s32 s30, s2  }
0xe: {  	s7 =	sadd.s32 $0x5DC00, s7;
	s9 =	sadd.s32 s9, s6;
	s6 =	sor.u32 $0x1C02, s31  }
0xf: {  	s10 =	smax.u32 s10, $0x1;
	s11 =	sshrl.u32 s11, $0x3;
	s9 =	sadd.s32 $0xBDC00, s9  }
.LBB2_1:
0x10: {  	[spmem:s11], [sflag:s6] =	dma.local [hbm:s5], $0x2800  }
0x11: {  	_ =	swait.ge [sflag:s12], $0x2800  }
0x12: {  	[sflag:s12] =	ssyncset.done $0x0  }
0x13: {  	[sflag:s12] =	ssyncadd.s32 $0xFFFFD800  }
0x14: {  	[tilespmem:s3], [sflag:$0x2] =	stream.linear.gather [hbm4b:s7+s3], $0x3E80, $0x38;
	[tilespmem:$0x1E800] =	vst v63  }
0x15: {  	_ =	swait.ge [sflag:s12], $0x3E80  }
0x16: {  	[sflag:s12] =	ssyncset.done $0x0  }
0x17: {  	[sflag:s12] =	ssyncadd.s32 $0xFFFFC180  }
0x18: {  	[tilespmem:s13], [sflag:$0x2] =	stream.linear.gather [hbm4b:s8+s3], $0x3E80, $0x38;
	[tilespmem:$0x1E800] =	vst v63  }
0x19: {  	_ =	swait.ge [sflag:s12], $0x3E80  }
0x1a: {  	[sflag:s12] =	ssyncset.done $0x0  }
0x1b: {  	[sflag:s12] =	ssyncadd.s32 $0xFFFFC180  }
0x1c: {  	s18 =	simm.s32 $0x0;
	[bflag:$0x0] =	sbarrier.arrive $0xFFFF  }
0x1d: {  	[tilespmem:s15], [sflag:$0x1] =	stream.indirect.gather [hbm4b:s4+s14], $0x80, s18, s14, $0xb8;
	[tilespmem:$0x1E800] =	vst v63  }
0x1e: {  	_ =	swait.ge [sflag:s16], $0x2800  }
0x1f: {  	[sflag:s16] =	ssyncset.done $0x0  }
0x20: {  	s31 =	simm.s32 $0x4000;
	[sflag:s16] =	ssyncadd.s32 $0xFFFFD800  }
0x21: {  	[spmem:s2] =	stream.indirect.scatter.add.f32 [tilespmem:s15], [sflag:$0x2], $0x80, s31, s14, $0xb8;
	[tilespmem:$0x1E800] =	vst v63  }
0x22: {  	_ =	swait.ge [sflag:s12], $0x2800  }
0x23: {  	s19 =	simm.s32 $0x400;
	s18 =	simm.s32 $0x200;
	[sflag:s12] =	ssyncset.done $0x0  }
.LBB2_2:
0x24: {  	s20 =	sshra.s32 s18, $0x2  }
0x25: {  	[sflag:s12] =	ssyncadd.s32 $0xFFFFD800;
	s18 =	smov.u32 s19;
	s21 =	sadd.s32 $0x200, s19  }
0x26: {  	[tilespmem:s15], [sflag:$0x1] =	stream.indirect.gather [hbm4b:s4+s14], $0x80, s20, s14, $0xb8;
	[tilespmem:$0x1E800] =	vst v63  }
0x27: {  	p0 =	sne.s32 s19, $0xF800;
	_ =	swait.ge [sflag:s16], $0x2800  }
.Ltmp0:
0x28: {  	[sflag:s16] =	ssyncset.done $0x0;
	(pc) =	sbr.rel @p0 .LBB2_2-.Ltmp0, $4  }
0x29: {  	s19 =	sadd.s32 $0x4000, s20;
	[sflag:s16] =	ssyncadd.s32 $0xFFFFD800  }
0x2a: {  	[spmem:s2] =	stream.indirect.scatter.add.f32 [tilespmem:s15], [sflag:$0x2], $0x80, s19, s14, $0xb8;
	[tilespmem:$0x1E800] =	vst v63  }
0x2b: {  	_ =	swait.ge [sflag:s12], $0x2800  }
0x2c: {  	s19 =	smov.u32 s21;
	[sflag:s12] =	ssyncset.done $0x0  }
0x2d: {  	s18 =	sshra.s32 s18, $0x2;
	[sflag:s12] =	ssyncadd.s32 $0xFFFFD800  }
0x2e: {  	[tilespmem:s15], [sflag:$0x1] =	stream.indirect.gather [hbm4b:s4+s14], $0x80, s18, s14, $0xb8;
	[tilespmem:$0x1E800] =	vst v63  }
0x2f: {  	_ =	swait.ge [sflag:s16], $0x2800  }
0x30: {  	[sflag:s16] =	ssyncset.done $0x0  }
0x31: {  	s18 =	sadd.s32 $0x4000, s18;
	[sflag:s16] =	ssyncadd.s32 $0xFFFFD800  }
0x32: {  	[spmem:s2] =	stream.indirect.scatter.add.f32 [tilespmem:s15], [sflag:$0x2], $0x80, s18, s14, $0xb8;
	[tilespmem:$0x1E800] =	vst v63  }
0x33: {  	_ =	swait.ge [sflag:s12], $0x2800  }
0x34: {  	s17 =	sadd.s32 $0x1, s17;
	[sflag:s12] =	ssyncset.done $0x0  }
0x35: {  	p0 =	sne.s32 s17, s10;
	[sflag:s12] =	ssyncadd.s32 $0xFFFFD800  }
.Ltmp1:
0x36: {  	[bflag:$0x0] =	sbarrier.arrive $0xFFFF;
	(pc) =	sbr.rel @p0 .LBB2_1-.Ltmp1, $4  }
0x37: {  	[hbm:s9], [sflag:s6] =	dma.local [spmem:s11], $0x2800  }
0x38: {  	_ =	swait.ge [sflag:s12], $0x2800  }
0x39: {  	[sflag:s12] =	ssyncset.done $0x0  }
0x3a: {  	[sflag:s12] =	ssyncadd.s32 $0xFFFFD800  }
0x3b: {  	_ =	sfence.sel $0x180000  }
0x3c: {  	[bflag:$0x0] =	sbarrier.arrive $0xFFFF  }
0x3d: {  	p0 =	sne.s32 s1, $0x0;
	_ =	strace $0x9000004D  }
0x3e: {  	s0 =	sadd.s32 @!p0 $0x100000, s0;
	[bflag:$0x2] =	sbarrier.arrive $0xFFFF  }
0x3f: {  	[sflag:s0] =	ssyncadd.tile.s32 @!p0 $0x1;
	_ =	shalt  }
.Lfunc_end2:
_tile_overlayer_lowered:
.L_overlay_start_2:
0x40: {  	(tag) =	ssettag $0x2  }
0x41: {  	s0 =	rddreg [dreg:$0x0];
	s2 =	stileid.u32  }
0x42: {  	s1 =	rddreg [dreg:$0x1];
	p0 =	sne.s32 s2, $0x0  }
0x43: {  	s3 =	rddreg [dreg:$0x2];
	[bflag:$0x3] =	sbarrier.arrive $0xFFFF;
	s2 =	simm.s32 @!p0 $0x1C02  }
0x44: {  	[timem:s3], [sflag:s2] =	dma.local @!p0 [hbm:s0], s1  }
0x45: {  	s0 =	simm.s32 @!p0 $0x2  }
0x46: {  	_ =	swait.ge @!p0 [sflag:s0], s1  }
0x47: {  	s1 =	ssub.s32 @!p0 $0x0, s1;
	[sflag:s0] =	ssyncset.done @!p0 $0x0  }
0x48: {  	[sflag:s0] =	ssyncadd.s32 @!p0 s1  }
0x49: {  	[bflag:$0x3] =	sbarrier.arrive $0xFFFF  }
0x4a: {  	_ =	shalt  }

// kernel: kernel.8.cloned.1.call-start
scs
__scs_entry_jumppad:
0x0: {  	(pc) =	sbr.rel $0x88, $3  }
0x1: {  	(tag) =	ssettag $0x0;
	lr =	simm.s32 $0x1  }
0x2: {  	[smem:$0x3F9B] =	sst lr;
	_ =	strace $0xD0000000  }
0x3: {  	_ = 	snop  }
0x4: {  	_ = 	snop  }
0x5: {  	_ = 	snop  }
0x6: {  	_ = 	snop  }
0x7: {  	_ = 	snop  }
__scs_overlays_trampoline_lowered:
0x8: {  	[smem:$0x3FAA] =	sst s0  }
0x9: {  	[smem:$0x3FAB] =	sst s1  }
0xa: {  	[smem:$0x3FAC] =	sst s2  }
0xb: {  	[smem:$0x3FAD] =	sst s3  }
0xc: {  	[smem:$0x3FAE] =	sst s4  }
0xd: {  	[smem:$0x3FAF] =	sst s5  }
0xe: {  	[smem:$0x3FB0] =	sst s6  }
0xf: {  	[smem:$0x3FB1] =	sst s7  }
0x10: {  	[smem:$0x3FB2] =	sst s8  }
0x11: {  	[smem:$0x3FB3] =	sst s9;
	s0 =	simm.s32 @!p0 $0x0  }
0x12: {  	s1 =	sld [smem:$0x3F99];
	s0 =	simm.s32 @p0 $0x1  }
0x13: {  	[smem:$0x3FB4] =	sst s0;
	s0 =	simm.s32 @!p1 $0x0  }
0x14: {  	s2 =	sld [smem:$0x3F98];
	s0 =	simm.s32 @p1 $0x1  }
0x15: {  	[smem:$0x3FB5] =	sst s0;
	s0 =	simm.s32 @!p2 $0x0  }
0x16: {  	s3 =	sld [smem:$0x3FDB];
	s0 =	simm.s32 @p2 $0x1  }
0x17: {  	s4 =	simm.s32 $0x1BF5;
	[smem:$0x3FB7] =	sst s0  }
0x18: {  	s0 =	sld [smem:$0x3F9A];
	_ =	swait.ge [sflag:s4], $0x0  }
0x19: {  	s7 =	sld [smem:$0x3F9B]  }
0x1a: {  	s8 =	sadd.s32 $0xFFFFE003, lr  }
0x1b: {  	s9 =	sadd.s32 $0xFFFFFEF7, lr;
	s5 =	simm.s32 $0xFFFFFFFF;
	p2 =	slt.u32 s8, $0xFFFFF086  }
0x1c: {  	p1 =	slt.u32 s9, $0xF7A;
	s5 =	simm.s32 @!p2 $0x0  }
0x1d: {  	s5 =	simm.s32 @p1 $0x1;
	p0 =	seq.s32 s7, s2  }
0x1e: {  	s7 =	smul.u32 @!p0 $0xF7A, s2;
	p2 =	seq.s32 @!p0 s5, $0x0  }
0x1f: {  	s9 =	smul.u32 $0xF7A, s1;
	s8 =	simm.s32 @!p0 $0x1BF5;
	p2 =	por !p2, p0  }
0x20: {  	[sflag:s8] =	ssyncset.s32 @!p0 $0xFFFFF086;
	s6 =	sadd.s32 @!p0 s3, s7;
	s7 =	simm.s32 @!p0 $0x108  }
0x21: {  	s3 =	sadd.s32 s3, s9;
	s6 =	sadd.s32 @!p0 $0x88, s6;
	s7 =	simm.s32 @p2 $0x1082  }
0x22: {  	[simem:s7], [sflag:s8] =	dma.local @!p0 [hbm:s6], $0xF7A  }
0x23: {  	s9 =	sor.u32 $0xD0000000, s2;
	s6 =	simm.s32 $0x108;
	_ =	swait.ge @!p0 [sflag:s8], $0x0  }
0x24: {  	s3 =	sadd.s32 $0x88, s3;
	s6 =	simm.s32 @!p1 $0x1082;
	[sflag:s4] =	ssyncset.s32 $0xFFFFF086  }
0x25: {  	[simem:s6], [sflag:s4] =	dma.local [hbm:s3], $0xF7A  }
0x26: {  	[smem:$0x3F9B] =	sst s1;
	(tag) =	ssettag s2;
	_ =	strace s9  }
0x27: {  	s1 =	sld [smem:$0x3FAB]  }
0x28: {  	s2 =	sld [smem:$0x3FAC]  }
0x29: {  	s4 =	sld [smem:$0x3FAE]  }
0x2a: {  	p0 =	seq.s32 s5, $0x0;
	s5 =	sld [smem:$0x3FAF]  }
0x2b: {  	s6 =	sld [smem:$0x3FB0]  }
0x2c: {  	s7 =	sld [smem:$0x3FB1]  }
0x2d: {  	s3 =	simm.s32 $0x108;
	s8 =	sld [smem:$0x3FB2]  }
0x2e: {  	s3 =	simm.s32 @!p0 $0x1082;
	s9 =	sld [smem:$0x3FB3]  }
0x2f: {  	lr =	sadd.s32 s0, s3;
	s0 =	sld [smem:$0x3FAA]  }
0x30: {  	s3 =	sld [smem:$0x3FAD]  }
0x31: {  	[smem:$0x3FB6] =	sst s10  }
0x32: {  	s10 =	sld [smem:$0x3FB4];
	_ =	sdelay $0x3  }
0x33: {  	p0 =	seq.s32 s10, $0x1;
	s10 =	sld [smem:$0x3FB6];
	_ =	sdelay $0x3  }
0x34: {  	[smem:$0x3FB6] =	sst s10  }
0x35: {  	s10 =	sld [smem:$0x3FB5];
	_ =	sdelay $0x3  }
0x36: {  	p1 =	seq.s32 s10, $0x1;
	s10 =	sld [smem:$0x3FB6];
	_ =	sdelay $0x3  }
0x37: {  	[smem:$0x3FB6] =	sst s10  }
0x38: {  	s10 =	sld [smem:$0x3FB7]  }
0x39: {  	_ = 	snop;
	(pc) =	sbr.ind lr, $3  }
0x3a: {  	_ = 	snop  }
0x3b: {  	_ = 	snop  }
0x3c: {  	p2 =	seq.s32 s10, $0x1;
	s10 =	sld [smem:$0x3FB6]  }
0x3d: {  	_ =	shalt  }
0x3e: {  	_ =	shalt  }
0x3f: {  	_ =	shalt  }
0x40: {  	_ =	shalt  }
0x41: {  	_ =	shalt  }
0x42: {  	_ =	shalt  }
0x43: {  	_ =	shalt  }
0x44: {  	_ =	shalt  }
0x45: {  	_ =	shalt  }
0x46: {  	_ =	shalt  }
0x47: {  	_ =	shalt  }
0x48: {  	_ =	shalt  }
0x49: {  	_ =	shalt  }
0x4a: {  	_ =	shalt  }
0x4b: {  	_ =	shalt  }
0x4c: {  	_ =	shalt  }
0x4d: {  	_ =	shalt  }
0x4e: {  	_ =	shalt  }
0x4f: {  	_ =	shalt  }
0x50: {  	_ =	shalt  }
0x51: {  	_ =	shalt  }
0x52: {  	_ =	shalt  }
0x53: {  	_ =	shalt  }
0x54: {  	_ =	shalt  }
0x55: {  	_ =	shalt  }
0x56: {  	_ =	shalt  }
0x57: {  	_ =	shalt  }
0x58: {  	_ =	shalt  }
0x59: {  	_ =	shalt  }
0x5a: {  	_ =	shalt  }
0x5b: {  	_ =	shalt  }
0x5c: {  	_ =	shalt  }
0x5d: {  	_ =	shalt  }
0x5e: {  	_ =	shalt  }
0x5f: {  	_ =	shalt  }
0x60: {  	_ =	shalt  }
0x61: {  	_ =	shalt  }
0x62: {  	_ =	shalt  }
0x63: {  	_ =	shalt  }
0x64: {  	_ =	shalt  }
0x65: {  	_ =	shalt  }
0x66: {  	_ =	shalt  }
0x67: {  	_ =	shalt  }
0x68: {  	_ =	shalt  }
0x69: {  	_ =	shalt  }
0x6a: {  	_ =	shalt  }
0x6b: {  	_ =	shalt  }
0x6c: {  	_ =	shalt  }
0x6d: {  	_ =	shalt  }
0x6e: {  	_ =	shalt  }
0x6f: {  	_ =	shalt  }
0x70: {  	_ =	shalt  }
0x71: {  	_ =	shalt  }
0x72: {  	_ =	shalt  }
0x73: {  	_ =	shalt  }
0x74: {  	_ =	shalt  }
0x75: {  	_ =	shalt  }
0x76: {  	_ =	shalt  }
0x77: {  	_ =	shalt  }
0x78: {  	_ =	shalt  }
0x79: {  	_ =	shalt  }
0x7a: {  	_ =	shalt  }
0x7b: {  	_ =	shalt  }
0x7c: {  	_ =	shalt  }
0x7d: {  	_ =	shalt  }
0x7e: {  	_ =	shalt  }
0x7f: {  	_ =	shalt  }
0x80: {  	_ =	shalt  }
0x81: {  	_ =	shalt  }
0x82: {  	_ =	shalt  }
0x83: {  	_ =	shalt  }
0x84: {  	_ =	shalt  }
0x85: {  	_ =	shalt  }
0x86: {  	_ =	shalt  }
0x87: {  	_ =	shalt  }
.Lfunc_end0:
.L_simem_size_0:
called_computation_lowered:
.L_overlay_start_0:
0x88: {  	s2 =	sld [smem:$0x3FD9]  }
0x89: {  	s3 =	sld [smem:$0x3FFE];
	_ =	sdelay $0x1  }
0x8a: {  	s1 =	srdreg.scid  }
0x8b: {  	s0 =	sand.u32 $0x1, s1  }
0x8c: {  	s17 =	sshll.u32 s0, $0xA;
	s2 =	sadd.s32 s3, s2  }
0x8d: {  	s2 =	sadd.s32 s2, s17  }
0x8e: {  	[smem:$0x3FC2] =	sst s2  }
0x8f: {  	_ = 	snop  }
0x90: {  	s2 =	sld [smem:$0x3FD0];
	(tm) =	ssettm $0x1  }
0x91: {  	s18 =	sld [smem:$0x3FFB];
	_ =	sdelay $0x3  }
0x92: {  	_ =	strace s18  }
0x93: {  	s3 =	sld [smem:$0x3FFC];
	_ =	sdelay $0x3  }
0x94: {  	_ =	strace s3  }
0x95: {  	s3 =	sld [smem:$0x3FFD];
	_ =	sdelay $0x3  }
0x96: {  	_ =	strace s3  }
0x97: {  	_ =	strace $0x8FFFFFFF  }
0x98: {  	s19 =	sld [smem:$0x3FDB];
	_ =	sdelay $0x1  }
0x99: {  	s4 =	simm.s32 $_scs_section_size  }
0x9a: {  	s5 =	simm.s32 $_size__tile_overlayer_lowered;
	s6 =	simm.s32 $_tile_overlayer_lowered  }
0x9b: {  	s22 =	simm.s32 $0x1BFF;
	s21 =	sshll.u32 s6, $0x1;
	s3 =	sadd.s32 s4, s19  }
0x9c: {  	s7 =	simm.s32 $0x0;
	s20 =	sshll.u32 s5, $0x1;
	s5 =	sadd.s32 s21, s3  }
0x9d: {  	[timem:s7], [sflag:s22] =	dma.local [hbm:s5], s20  }
0x9e: {  	_ =	swait.ge [sflag:s22], s20  }
0x9f: {  	s4 =	ssub.s32 $0x0, s20;
	[sflag:s22] =	ssyncset.done $0x0  }
0xa0: {  	[sflag:s22] =	ssyncadd.s32 s4;
	_ =	sdelay $0x1  }
0xa1: {  	s23 =	simm.s32 $0x1B8B  }
0xa2: {  	_ =	swait.ge [sflag:s23], $0x1  }
0xa3: {  	[sflag:s23] =	ssyncset.done $0x0  }
0xa4: {  	s25 =	simm.s32 $0x1B8E;
	s24 =	sld [smem:$0x3FFE];
	[sflag:s23] =	ssyncadd.s32 $0xFFFFFFFF  }
0xa5: {  	s26 =	simm.s32 $execute0_lowered;
	[smem:$0x3FD2] =	sst s25  }
0xa6: {  	s5 =	sshll.u32 s26, $0x1;
	_ =	strace $0x80000046;
	[dreg:$0x1] =	wrdreg $0xFFFFFFFF  }
0xa7: {  	s28 =	simm.s32 $_size_execute0_lowered;
	s3 =	sadd.s32 s3, s5;
	[dreg:$0x0] =	wrdreg $0x0  }
0xa8: {  	s5 =	sshll.u32 s28, $0x1;
	[dreg:$0x2] =	wrdreg s3  }
0xa9: {  	[dreg:$0x3] =	wrdreg s5  }
0xaa: {  	[dreg:$0x4] =	wrdreg $0xC0  }
0xab: {  	_ =	task [dreg:s7], $0x5FFFF  }
0xac: {  	[dreg:$0x1] =	wrdreg $0xFFFFFFFF  }
0xad: {  	[dreg:$0x0] =	wrdreg $0x60  }
0xae: {  	[dreg:$0x2] =	wrdreg s2  }
0xaf: {  	[dreg:$0x3] =	wrdreg s24  }
0xb0: {  	[dreg:$0x4] =	wrdreg $0x48000  }
0xb1: {  	[dreg:$0x5] =	wrdreg $0x9  }
0xb2: {  	_ =	task.clear_ibuf [dreg:s7], $0x6FFFF;
	_ =	strace $0x90000046  }
0xb3: {  	s29 =	simm.s32 $0x9;
	_ =	strace $0x80000048  }
0xb4: {  	_ =	swait.ge [sflag:s29], $0x1  }
0xb5: {  	[sflag:s29] =	ssyncadd.s32 $0xFFFFFFFF  }
0xb6: {  	_ =	strace $0x90000048  }
0xb7: {  	_ =	sfence  }
0xb8: {  	s30 =	sld [smem:$0x0];
	_ =	sdelay $0x2  }
0xb9: {  	s31 =	sshll.u32 s1, $0xD;
	s1 =	sshrl.u32 s1, $0x2  }
0xba: {  	s3 =	sand.u32 $0x4000, s31;
	s1 =	sadd.s32 s1, s30  }
0xbb: {  	s0 =	sor.u32 s3, s0;
	s1 =	sshll.u32 s1, $0x11  }
0xbc: {  	s0 =	sor.u32 s1, s0  }
0xbd: {  	s0 =	sadd.s32 $0x8F2B, s0  }
0xbe: {  	[sflag:s0] =	ssyncadd.remote.s32 $0x1  }
0xbf: {  	_ =	sfence.sel $0xFFFF  }
0xc0: {  	[dreg:$0x0] =	wrdreg $0xFFFFFFFF;
	(pc) =	sbr.abs _section_cstart, $3  }
0xc1: {  	[dreg:$0x1] =	wrdreg $0xFFFFFFFF  }
0xc2: {  	_ =	task.clear_ibuf [dreg:s7], $0x2FFFF;
	_ =	strace $0x9FFFFFFF  }
0xc3: {  	(tm) =	ssettm $0x7FFFFFFF  }
tec
execute0_lowered:
.L_overlay_start_1:
0x0: {  	(tag) =	ssettag $0x1  }
0x1: {  	s6 =	rddreg [dreg:$0x0]  }
0x2: {  	s7 =	rddreg [dreg:$0x1]  }
0x3: {  	s2 =	rddreg [dreg:$0x2]  }
0x4: {  	s0 =	rddreg [dreg:$0x3];
	s4 =	srdreg.scid  }
0x5: {  	s1 =	stileid.u32;
	s3 =	simm.s32 $0x0;
	s13 =	simm.s32 $0x50  }
0x6: {  	s14 =	simm.s32 $0x0;
	s8 =	sand.u32 $0x1, s4;
	s9 =	smul.u32 $0x2800, s1  }
0x7: {  	[smem:$0x7FF] =	sst s3;
	s4 =	sadd.s32 $0x2E00, s7;
	s11 =	smul.u32 $0x50000, s1  }
0x8: {  	s5 =	sadd.s32 $0x3400, s7;
	s31 =	sshll.u32 s1, $0xA;
	s12 =	sshll.u32 s1, $0x6  }
0x9: {  	s10 =	smul.u32 $0x28000, s8;
	_ =	strace $0x80000047;
	s29 =	ssub.s32 $0x2, s8  }
0xa: {  	s8 =	sshll.u32 s8, $0xE;
	s30 =	sshrl.u32 s29, $0x1;
	s11 =	sshrl.u32 s11, $0x2  }
0xb: {  	s9 =	sadd.s32 s9, s10;
	s10 =	ssub.s32 s29, s30;
	s11 =	sadd.s32 s11, s2  }
0xc: {  	s9 =	sadd.s32 s9, s7;
	s7 =	sadd.s32 s6, s31;
	s6 =	sor.u32 $0x1C01, s12  }
0xd: {  	s12 =	simm.s32 $0x2000;
	s7 =	sadd.s32 s8, s7;
	s8 =	sadd.s32 $0x5C00, s9  }
0xe: {  	s9 =	smax.u32 s10, $0x1;
	s10 =	sshrl.u32 s11, $0x3;
	s11 =	simm.s32 $0x1  }
.LBB2_1:
0xf: {  	[spmem:s10], [sflag:s6] =	dma.local [hbm:s5], $0x2800  }
0x10: {  	_ =	swait.ge [sflag:s11], $0x2800  }
0x11: {  	[sflag:s11] =	ssyncset.done $0x0  }
0x12: {  	[sflag:s11] =	ssyncadd.s32 $0xFFFFD800  }
0x13: {  	[tilespmem:s3], [sflag:$0x1] =	stream.linear.gather [hbm4b:s7+s3], $0x1F80, $0x38;
	[tilespmem:$0x18800] =	vst v63  }
0x14: {  	_ =	swait.ge [sflag:s11], $0x1F80  }
0x15: {  	[sflag:s11] =	ssyncset.done $0x0  }
0x16: {  	[sflag:s11] =	ssyncadd.s32 $0xFFFFE080  }
0x17: {  	[tilespmem:s12], [sflag:$0x1] =	stream.linear.gather [hbm4b:s4+s3], $0x2800, $0x38;
	[tilespmem:$0x18800] =	vst v63  }
0x18: {  	_ =	swait.ge [sflag:s11], $0x2800  }
0x19: {  	[sflag:s11] =	ssyncset.done $0x0  }
0x1a: {  	[sflag:s11] =	ssyncadd.s32 $0xFFFFD800  }
0x1b: {  	s15 =	simm.s32 $0x0;
	[bflag:$0x0] =	sbarrier.arrive $0xFFFF  }
0x1c: {  	[spmem:s2] =	stream.indirect.scatter.add.f32 [tilespmem:s12], [sflag:$0x1], $0x80, s15, s13, $0xb8;
	[tilespmem:$0x18800] =	vst v63  }
0x1d: {  	_ =	swait.ge [sflag:s11], $0x2800  }
0x1e: {  	s15 =	simm.s32 $0x200;
	[sflag:s11] =	ssyncset.done $0x0  }
.LBB2_2:
0x1f: {  	s16 =	sshra.s32 s15, $0x2;
	[sflag:s11] =	ssyncadd.s32 $0xFFFFD800;
	p0 =	sne.s32 s15, $0x7C00  }
0x20: {  	[spmem:s2] =	stream.indirect.scatter.add.f32 [tilespmem:s12], [sflag:$0x1], $0x80, s16, s13, $0xb8;
	[tilespmem:$0x18800] =	vst v63  }
.Ltmp0:
0x21: {  	_ = 	snop;
	(pc) =	sbr.rel @p0 .LBB2_2-.Ltmp0, $4  }
0x22: {  	_ = 	snop  }
0x23: {  	s15 =	sadd.s32 $0x200, s15  }
0x24: {  	_ =	swait.ge [sflag:s11], $0x2800  }
0x25: {  	[sflag:s11] =	ssyncset.done $0x0  }
0x26: {  	s14 =	sadd.s32 $0x1, s14  }
0x27: {  	[sflag:s11] =	ssyncadd.s32 $0xFFFFD800;
	p0 =	sne.s32 s14, s9  }
.Ltmp1:
0x28: {  	[bflag:$0x0] =	sbarrier.arrive $0xFFFF;
	(pc) =	sbr.rel @p0 .LBB2_1-.Ltmp1, $4  }
0x29: {  	[hbm:s8], [sflag:s6] =	dma.local [spmem:s10], $0x2800  }
0x2a: {  	_ =	swait.ge [sflag:s11], $0x2800  }
0x2b: {  	[sflag:s11] =	ssyncset.done $0x0  }
0x2c: {  	[sflag:s11] =	ssyncadd.s32 $0xFFFFD800  }
0x2d: {  	_ =	sfence.sel $0x180000  }
0x2e: {  	[bflag:$0x0] =	sbarrier.arrive $0xFFFF  }
0x2f: {  	p0 =	sne.s32 s1, $0x0;
	_ =	strace $0x90000047  }
0x30: {  	s0 =	sadd.s32 @!p0 $0x100000, s0;
	[bflag:$0x2] =	sbarrier.arrive $0xFFFF  }
0x31: {  	[sflag:s0] =	ssyncadd.tile.s32 @!p0 $0x1;
	_ =	shalt  }
.Lfunc_end2:
_tile_overlayer_lowered:
.L_overlay_start_2:
0x32: {  	(tag) =	ssettag $0x2  }
0x33: {  	s0 =	rddreg [dreg:$0x0];
	s2 =	stileid.u32  }
0x34: {  	s1 =	rddreg [dreg:$0x1];
	p0 =	sne.s32 s2, $0x0  }
0x35: {  	s3 =	rddreg [dreg:$0x2];
	[bflag:$0x3] =	sbarrier.arrive $0xFFFF;
	s2 =	simm.s32 @!p0 $0x1C01  }
0x36: {  	[timem:s3], [sflag:s2] =	dma.local @!p0 [hbm:s0], s1  }
0x37: {  	s0 =	simm.s32 @!p0 $0x1  }
0x38: {  	_ =	swait.ge @!p0 [sflag:s0], s1  }
0x39: {  	s1 =	ssub.s32 @!p0 $0x0, s1;
	[sflag:s0] =	ssyncset.done @!p0 $0x0  }
0x3a: {  	[sflag:s0] =	ssyncadd.s32 @!p0 s1  }
0x3b: {  	[bflag:$0x3] =	sbarrier.arrive $0xFFFF  }
0x3c: {  	_ =	shalt  }

</sc_bundles>
